<compile_context>
chip_gen: v7x
topology: tpu7x:2x2x1
jax: 0.10.2.dev20260603
libtpu: 0.0.44.dev20260713+nightly
codegen_flags: <defaults>
</compile_context>

<pallas_src>
import functools

import jax
import jax.numpy as jnp
from jax import lax
from jax.experimental import pallas as pl
from jax.experimental.pallas import tpu as pltpu
from jax.experimental.pallas import tpu_sc as plsc

B = 8
N = 16384
P = 27
S = 512
R2 = 0.25

NC = 2
NS = 16
L = 16

TILES_PER_BATCH = (NC * NS) // B
P_PER_TILE = -(-P // TILES_PER_BATCH)
NVEC = N // L
BUF = N + L


def _grouper_body(xyz_hbm, cen_hbm, out_hbm, xb, yb, zb, cenv, bufi,
                  obx, oby, obz, padb):
    sid = lax.axis_index("s")
    cid = lax.axis_index("c")
    wid = sid * NC + cid
    b = wid // TILES_PER_BATCH
    g = wid % TILES_PER_BATCH

    pltpu.sync_copy(xyz_hbm.at[pl.ds(b * 3 * N, N)], xb)
    pltpu.sync_copy(xyz_hbm.at[pl.ds(b * 3 * N + N, N)], yb)
    pltpu.sync_copy(xyz_hbm.at[pl.ds(b * 3 * N + 2 * N, N)], zb)
    pltpu.sync_copy(cen_hbm, cenv)

    lanes = lax.iota(jnp.int32, 16)
    zeros16 = jnp.zeros((16,), jnp.int32)

    def do_pair(p):
        psplat = jnp.broadcast_to(p, (16,))
        cx = plsc.load_gather(cenv, [psplat])
        cy = plsc.load_gather(cenv, [32 + psplat])
        cz = plsc.load_gather(cenv, [64 + psplat])

        bufi[pl.ds(0, 16)] = zeros16

        def scan_step(i, cnt):
            off = i * L
            vx = xb[pl.ds(off, 16)]
            vy = yb[pl.ds(off, 16)]
            vz = zb[pl.ds(off, 16)]
            dx = vx - cx
            dy = vy - cy
            dz = vz - cz
            d2 = dx * dx + dy * dy + dz * dz
            m = d2 < R2
            plsc.store_compressed(
                bufi.at[pl.ds(cnt, 16)], off + lanes, mask=m)
            return cnt + jnp.max(plsc.all_reduce_population_count(m))

        cnt = plsc.parallel_loop(
            0, NVEC, step=1, unroll=8, carry=jnp.int32(0))(scan_step)
        cnt_v = jnp.broadcast_to(cnt, (16,))

        v0 = bufi[pl.ds(0, 16)]
        lane0 = lanes == 0
        for j in range(16):
            plsc.store_compressed(padb.at[pl.ds(j, 16)], v0, mask=lane0)
        padidx = padb[pl.ds(0, 16)]
        for s2 in range(S // L):
            pos = s2 * L + lanes
            iv = bufi[pl.ds(s2 * L, 16)]
            iv = jnp.where(pos < cnt_v, iv, padidx)
            obx[pl.ds(s2 * L, 16)] = plsc.load_gather(xb, [iv]) - cx
            oby[pl.ds(s2 * L, 16)] = plsc.load_gather(yb, [iv]) - cy
            obz[pl.ds(s2 * L, 16)] = plsc.load_gather(zb, [iv]) - cz

        pair_id = b * P + p
        pltpu.sync_copy(obx, out_hbm.at[pl.ds(pair_id * S, S)])
        pltpu.sync_copy(oby, out_hbm.at[pl.ds((B * P + pair_id) * S, S)])
        pltpu.sync_copy(obz, out_hbm.at[pl.ds((2 * B * P + pair_id) * S, S)])

    def pair_step(j, carry):
        p = g * P_PER_TILE + j

        @pl.when(p < P)
        def _():
            do_pair(p)

        return carry

    lax.fori_loop(0, P_PER_TILE, pair_step, jnp.int32(0))


@jax.jit
def kernel(xyz, centers):
    xyz_t = jnp.transpose(xyz, (0, 2, 1)).reshape(-1)
    cen_pad = jnp.zeros((4, 32), jnp.float32)
    cen_t = lax.dynamic_update_slice(
        cen_pad, jnp.transpose(centers[0], (1, 0)), (0, 0)).reshape(-1)

    grouper = functools.partial(
        pl.kernel,
        out_type=jax.ShapeDtypeStruct((3 * B * P * S,), jnp.float32),
        mesh=plsc.VectorSubcoreMesh(
            core_axis_name="c", subcore_axis_name="s",
            num_cores=NC, num_subcores=NS),
        compiler_params=pltpu.CompilerParams(needs_layout_passes=False),
        scratch_types=[
            pltpu.VMEM((N,), jnp.float32),
            pltpu.VMEM((N,), jnp.float32),
            pltpu.VMEM((N,), jnp.float32),
            pltpu.VMEM((128,), jnp.float32),
            pltpu.VMEM((BUF,), jnp.int32),
            pltpu.VMEM((S,), jnp.float32),
            pltpu.VMEM((S,), jnp.float32),
            pltpu.VMEM((S,), jnp.float32),
            pltpu.VMEM((128,), jnp.int32),
        ],
    )(_grouper_body)

    out = grouper(xyz_t, cen_t)
    out = out.reshape(3, B * P, S)
    return jnp.transpose(out, (1, 2, 0))

# --- scband reference (transcript-rebuilt; emitter-appended) ---
"""Pipeline reference for scband-point-cloud-grouper-40630390620888 (READ-ONLY COPY).

The authoritative reference and input builder live on the scoring server;
editing this copy changes nothing except your own understanding.
"""

import jax, jax.numpy as jnp
import numpy as np

CUBE = 3
RADIUS = 0.5
NSAMPLE = 512


def make_centers():
    c = np.array([[x, y, z] for x in range(CUBE) for y in range(CUBE) for z in range(CUBE)], dtype=np.float32)
    c -= (CUBE - 1) / 2.0
    c *= RADIUS
    return jnp.asarray(c)[None, :, :]  # [1, 27, 3]


def setup_inputs(seed: int = 0) -> dict:
    key = jax.random.key(seed)
    xyz = jax.random.normal(key, (8, 16384, 3), dtype=jnp.float32)
    return {"xyz": xyz, "centers": make_centers()}


def ball_query(xyz, centers, radius, nsample):
    # xyz: [B, N, 3], centers: [B, P, 3] -> idx [B, P, nsample]
    B, N, _ = xyz.shape
    d2 = jnp.sum((centers[:, :, None, :] - xyz[:, None, :, :]) ** 2, axis=-1)  # [B, P, N]
    valid = d2 < (radius * radius)
    cand = jnp.where(valid, jnp.arange(N, dtype=jnp.int32)[None, None, :], N)
    cand = jnp.sort(cand, axis=-1)[:, :, :nsample]  # first indices inside ball
    first = cand[:, :, :1]
    idx = jnp.where(cand == N, first, cand)  # pad with first valid index (CUDA ball_query semantics)
    idx = jnp.where(idx >= N, 0, idx)        # no point in ball -> index 0
    return idx


def reference(xyz, centers):
    B = xyz.shape[0]
    P = centers.shape[1]
    centers_b = jnp.broadcast_to(centers, (B, P, 3))
    idx = ball_query(xyz, centers_b, RADIUS, NSAMPLE)              # [B, P, S]
    grouped = jnp.take_along_axis(xyz[:, None, :, :], idx[..., None], axis=2)  # [B, P, S, 3]
    grouped = grouped - centers_b[:, :, None, :]                   # relative coords (QueryAndGroup)
    # torch returns [B, 3, P, S]; module permutes (0,2,3,1) -> [B, P, S, 3]; reshape [B*P, S, 3]
    out = grouped.reshape(B * P, NSAMPLE, 3)
    return out

if __name__ == "__main__":
    import jax
    _d = setup_inputs()
    print(jax.jit(kernel)(*tuple(_d.values())))

</pallas_src>

<mosaic_0001>
#map = affine_map<(d0, d1) -> (0)>
module attributes {stable_mosaic.version = 14 : i64} {
  func.func @_grouper_body(%arg0: i32, %arg1: i32, %arg2: memref<393216xf32, #tpu.memory_space<hbm>>, %arg3: memref<128xf32, #tpu.memory_space<hbm>>, %arg4: memref<331776xf32, #tpu.memory_space<hbm>>, %arg5: memref<16384xf32, #tpu.memory_space<vmem>>, %arg6: memref<16384xf32, #tpu.memory_space<vmem>>, %arg7: memref<16384xf32, #tpu.memory_space<vmem>>, %arg8: memref<128xf32, #tpu.memory_space<vmem>>, %arg9: memref<16400xi32, #tpu.memory_space<vmem>>, %arg10: memref<512xf32, #tpu.memory_space<vmem>>, %arg11: memref<512xf32, #tpu.memory_space<vmem>>, %arg12: memref<512xf32, #tpu.memory_space<vmem>>, %arg13: memref<128xi32, #tpu.memory_space<vmem>>) attributes {dimension_semantics = [#tpu.dimension_semantics<core_parallel>, #tpu.dimension_semantics<subcore_parallel>], iteration_bounds = array<i64: 2, 16>, scalar_prefetch = 0 : i64, scratch_operands = 9 : i64, tpu.core_type = #tpu.core_type<sc_vector_subcore>, window_params = [{transform_indices = #map}, {transform_indices = #map}, {transform_indices = #map}]} {
    %mul3A = arith.constant 2 : i32
    %mul3A_0 = arith.muli %arg1, %mul3A : i32
    %add3A = arith.addi %mul3A_0, %arg0 : i32
    %jit3A = arith.constant 4 : i32
    %div3A = arith.divsi %add3A, %jit3A : i32
    %sign3A = arith.constant 0 : i32
    %sign3A_1 = arith.cmpi sgt, %add3A, %sign3A : i32
    %sign3A_2 = arith.extui %sign3A_1 : i1 to i32
    %sign3A_3 = arith.constant 0 : i32
    %sign3A_4 = arith.cmpi slt, %add3A, %sign3A_3 : i32
    %sign3A_5 = arith.extui %sign3A_4 : i1 to i32
    %sign3A_6 = arith.subi %sign3A_2, %sign3A_5 : i32
    %sign3A_7 = arith.constant 0 : i32
    %sign3A_8 = arith.cmpi sgt, %jit3A, %sign3A_7 : i32
    %sign3A_9 = arith.extui %sign3A_8 : i1 to i32
    %sign3A_10 = arith.constant 0 : i32
    %sign3A_11 = arith.cmpi slt, %jit3A, %sign3A_10 : i32
    %sign3A_12 = arith.extui %sign3A_11 : i1 to i32
    %sign3A_13 = arith.subi %sign3A_9, %sign3A_12 : i32
    %ne3A = arith.cmpi ne, %sign3A_6, %sign3A_13 : i32
    %rem3A = arith.remsi %add3A, %jit3A : i32
    %ne3A_14 = arith.constant 0 : i32
    %ne3A_15 = arith.cmpi ne, %rem3A, %ne3A_14 : i32
    %and3A = arith.andi %ne3A, %ne3A_15 : i1
    %sub3A = arith.constant 1 : i32
    %sub3A_16 = arith.subi %div3A, %sub3A : i32
    %select_n3A = arith.select %and3A, %sub3A_16, %div3A : i32
    %jit3A_17 = arith.constant 4 : i32
    %eq3A = arith.constant 0 : i32
    %eq3A_18 = arith.cmpi eq, %jit3A_17, %eq3A : i32
    %jit3A_19 = arith.constant 1 : i32
    %select_n3A_20 = arith.select %eq3A_18, %jit3A_19, %jit3A_17 : i32
    %rem3A_21 = arith.remsi %add3A, %select_n3A_20 : i32
    %ne3A_22 = arith.constant 0 : i32
    %ne3A_23 = arith.cmpi ne, %rem3A_21, %ne3A_22 : i32
    %lt3A = arith.constant 0 : i32
    %lt3A_24 = arith.cmpi slt, %rem3A_21, %lt3A : i32
    %lt3A_25 = arith.constant 0 : i32
    %lt3A_26 = arith.cmpi slt, %select_n3A_20, %lt3A_25 : i32
    %ne3A_27 = arith.xori %lt3A_24, %lt3A_26 : i1
    %and3A_28 = arith.andi %ne3A_27, %ne3A_23 : i1
    %add3A_29 = arith.addi %rem3A_21, %select_n3A_20 : i32
    %select_n3A_30 = arith.select %and3A_28, %add3A_29, %rem3A_21 : i32
    %mul3A_31 = arith.constant 3 : i32
    %mul3A_32 = arith.muli %select_n3A, %mul3A_31 : i32
    %mul3A_33 = arith.constant 16384 : i32
    %mul3A_34 = arith.muli %mul3A_32, %mul3A_33 : i32
    "tpu.region"() ({
      %run_scoped3A = tpu.sem_alloc : memref<!tpu.dma_semaphore, #tpu.memory_space<semaphore_mem>>
      %dma_start3A = tpu.memref_slice %arg2[%mul3A_34] : memref<393216xf32, #tpu.memory_space<hbm>> -> memref<16384xf32, #tpu.memory_space<hbm>>
      %dma_start3A_53 = tpu.memref_slice %arg2[%mul3A_34] : memref<393216xf32, #tpu.memory_space<hbm>> -> memref<16384xf32, #tpu.memory_space<hbm>>
      tpu.enqueue_dma source(%dma_start3A_53 : memref<16384xf32, #tpu.memory_space<hbm>>) target(%arg5 : memref<16384xf32, #tpu.memory_space<vmem>>) target_semaphore(%run_scoped3A : memref<!tpu.dma_semaphore, #tpu.memory_space<semaphore_mem>>)
      %dma_wait3A = tpu.memref_slice %arg2[%mul3A_34] : memref<393216xf32, #tpu.memory_space<hbm>> -> memref<16384xf32, #tpu.memory_space<hbm>>
      %dma_wait3A_54 = tpu.memref_slice %arg2[%mul3A_34] : memref<393216xf32, #tpu.memory_space<hbm>> -> memref<16384xf32, #tpu.memory_space<hbm>>
      tpu.wait_dma2 semaphore(%run_scoped3A : memref<!tpu.dma_semaphore, #tpu.memory_space<semaphore_mem>>) src(%dma_wait3A_54 : memref<16384xf32, #tpu.memory_space<hbm>>) dst(%arg5 : memref<16384xf32, #tpu.memory_space<vmem>>)
      tpu.yield
    }) : () -> ()
    %mul3A_35 = arith.constant 3 : i32
    %mul3A_36 = arith.muli %select_n3A, %mul3A_35 : i32
    %mul3A_37 = arith.constant 16384 : i32
    %mul3A_38 = arith.muli %mul3A_36, %mul3A_37 : i32
    %add3A_39 = arith.constant 16384 : i32
    %add3A_40 = arith.addi %mul3A_38, %add3A_39 : i32
    "tpu.region"() ({
      %run_scoped3A = tpu.sem_alloc : memref<!tpu.dma_semaphore, #tpu.memory_space<semaphore_mem>>
      %dma_start3A = tpu.memref_slice %arg2[%add3A_40] : memref<393216xf32, #tpu.memory_space<hbm>> -> memref<16384xf32, #tpu.memory_space<hbm>>
      %dma_start3A_53 = tpu.memref_slice %arg2[%add3A_40] : memref<393216xf32, #tpu.memory_space<hbm>> -> memref<16384xf32, #tpu.memory_space<hbm>>
      tpu.enqueue_dma source(%dma_start3A_53 : memref<16384xf32, #tpu.memory_space<hbm>>) target(%arg6 : memref<16384xf32, #tpu.memory_space<vmem>>) target_semaphore(%run_scoped3A : memref<!tpu.dma_semaphore, #tpu.memory_space<semaphore_mem>>)
      %dma_wait3A = tpu.memref_slice %arg2[%add3A_40] : memref<393216xf32, #tpu.memory_space<hbm>> -> memref<16384xf32, #tpu.memory_space<hbm>>
      %dma_wait3A_54 = tpu.memref_slice %arg2[%add3A_40] : memref<393216xf32, #tpu.memory_space<hbm>> -> memref<16384xf32, #tpu.memory_space<hbm>>
      tpu.wait_dma2 semaphore(%run_scoped3A : memref<!tpu.dma_semaphore, #tpu.memory_space<semaphore_mem>>) src(%dma_wait3A_54 : memref<16384xf32, #tpu.memory_space<hbm>>) dst(%arg6 : memref<16384xf32, #tpu.memory_space<vmem>>)
      tpu.yield
    }) : () -> ()
    %mul3A_41 = arith.constant 3 : i32
    %mul3A_42 = arith.muli %select_n3A, %mul3A_41 : i32
    %mul3A_43 = arith.constant 16384 : i32
    %mul3A_44 = arith.muli %mul3A_42, %mul3A_43 : i32
    %add3A_45 = arith.constant 32768 : i32
    %add3A_46 = arith.addi %mul3A_44, %add3A_45 : i32
    "tpu.region"() ({
      %run_scoped3A = tpu.sem_alloc : memref<!tpu.dma_semaphore, #tpu.memory_space<semaphore_mem>>
      %dma_start3A = tpu.memref_slice %arg2[%add3A_46] : memref<393216xf32, #tpu.memory_space<hbm>> -> memref<16384xf32, #tpu.memory_space<hbm>>
      %dma_start3A_53 = tpu.memref_slice %arg2[%add3A_46] : memref<393216xf32, #tpu.memory_space<hbm>> -> memref<16384xf32, #tpu.memory_space<hbm>>
      tpu.enqueue_dma source(%dma_start3A_53 : memref<16384xf32, #tpu.memory_space<hbm>>) target(%arg7 : memref<16384xf32, #tpu.memory_space<vmem>>) target_semaphore(%run_scoped3A : memref<!tpu.dma_semaphore, #tpu.memory_space<semaphore_mem>>)
      %dma_wait3A = tpu.memref_slice %arg2[%add3A_46] : memref<393216xf32, #tpu.memory_space<hbm>> -> memref<16384xf32, #tpu.memory_space<hbm>>
      %dma_wait3A_54 = tpu.memref_slice %arg2[%add3A_46] : memref<393216xf32, #tpu.memory_space<hbm>> -> memref<16384xf32, #tpu.memory_space<hbm>>
      tpu.wait_dma2 semaphore(%run_scoped3A : memref<!tpu.dma_semaphore, #tpu.memory_space<semaphore_mem>>) src(%dma_wait3A_54 : memref<16384xf32, #tpu.memory_space<hbm>>) dst(%arg7 : memref<16384xf32, #tpu.memory_space<vmem>>)
      tpu.yield
    }) : () -> ()
    "tpu.region"() ({
      %run_scoped3A = tpu.sem_alloc : memref<!tpu.dma_semaphore, #tpu.memory_space<semaphore_mem>>
      tpu.enqueue_dma source(%arg3 : memref<128xf32, #tpu.memory_space<hbm>>) target(%arg8 : memref<128xf32, #tpu.memory_space<vmem>>) target_semaphore(%run_scoped3A : memref<!tpu.dma_semaphore, #tpu.memory_space<semaphore_mem>>)
      tpu.wait_dma2 semaphore(%run_scoped3A : memref<!tpu.dma_semaphore, #tpu.memory_space<semaphore_mem>>) src(%arg3 : memref<128xf32, #tpu.memory_space<hbm>>) dst(%arg8 : memref<128xf32, #tpu.memory_space<vmem>>)
      tpu.yield
    }) : () -> ()
    %iota3A = tpu.iota {dimensions = array<i32: 0>} : vector<16xi32>
    %broadcast_in_dim3A = arith.constant 0 : i32
    %broadcast_in_dim3A_47 = vector.broadcast %broadcast_in_dim3A : i32 to vector<16xi32>
    %scan3A = arith.constant 0 : i32
    %scan3A_48 = arith.constant 0 : i32
    %scan3A_49 = arith.constant 7 : i32
    %scan3A_50 = arith.addi %scan3A_48, %scan3A_49 : i32
    %scan3A_51 = arith.constant 1 : i32
    scf.for %scan3A_53 = %scan3A_48 to %scan3A_50 step %scan3A_51  : i32 {
      %mul3A_54 = arith.constant 7 : i32
      %mul3A_55 = arith.muli %select_n3A_30, %mul3A_54 : i32
      %add3A_56 = arith.addi %mul3A_55, %scan3A_53 : i32
      %lt3A_57 = arith.constant 27 : i32
      %lt3A_58 = arith.cmpi slt, %add3A_56, %lt3A_57 : i32
      %convert_element_type3A = arith.extui %lt3A_58 : i1 to i32
      %cond3A = arith.constant 0 : i32
      %cond3A_59 = arith.cmpi ne, %convert_element_type3A, %cond3A : i32
      scf.if %cond3A_59 {
        %broadcast_in_dim3A_60 = vector.broadcast %add3A_56 : i32 to vector<16xi32>
        %gather3A = tpu.vector_load_idx %arg8[%broadcast_in_dim3A_60] : memref<128xf32, #tpu.memory_space<vmem>>[vector<16xi32>], vector<16xf32>,
        %add3A_61 = arith.constant 32 : i32
        %add3A_62 = vector.broadcast %add3A_61 : i32 to vector<16xi32>
        %add3A_63 = arith.addi %add3A_62, %broadcast_in_dim3A_60 : vector<16xi32>
        %gather3A_64 = tpu.vector_load_idx %arg8[%add3A_63] : memref<128xf32, #tpu.memory_space<vmem>>[vector<16xi32>], vector<16xf32>,
        %add3A_65 = arith.constant 64 : i32
        %add3A_66 = vector.broadcast %add3A_65 : i32 to vector<16xi32>
        %add3A_67 = arith.addi %add3A_66, %broadcast_in_dim3A_60 : vector<16xi32>
        %gather3A_68 = tpu.vector_load_idx %arg8[%add3A_67] : memref<128xf32, #tpu.memory_space<vmem>>[vector<16xi32>], vector<16xf32>,
        %swap3A = arith.constant 0 : index
        %swap3A_69 = tpu.vector_load %arg9[%swap3A] {strides = array<i32>} : memref<16400xi32, #tpu.memory_space<vmem>>, vector<16xi32>,
        tpu.vector_store %arg9[%swap3A], %broadcast_in_dim3A_47 {strides = array<i32>} : memref<16400xi32, #tpu.memory_space<vmem>>, vector<16xi32>,
        %parallel_loop3A = arith.constant 0 : i32
        %parallel_loop3A_70 = arith.constant 1024 : i32
        %parallel_loop3A_71 = arith.constant 1 : i32
        %parallel_loop3A_72 = arith.constant 0 : i32
        %parallel_loop3A_73 = scf.for %parallel_loop3A_734 = %parallel_loop3A to %parallel_loop3A_70 step %parallel_loop3A_71 iter_args(%parallel_loop3A_735 = %parallel_loop3A_72) -> (i32)  : i32 {
          %parallel_loop3A_736 = arith.constant 16 : i32
          %parallel_loop3A_737 = arith.muli %parallel_loop3A_734, %parallel_loop3A_736 : i32
          %parallel_loop3A_738 = arith.index_cast %parallel_loop3A_737 : i32 to index
          %parallel_loop3A_739 = tpu.vector_load %arg5[%parallel_loop3A_738] {strides = array<i32>} : memref<16384xf32, #tpu.memory_space<vmem>>, vector<16xf32>,
          %parallel_loop3A_740 = arith.index_cast %parallel_loop3A_737 : i32 to index
          %parallel_loop3A_741 = tpu.vector_load %arg6[%parallel_loop3A_740] {strides = array<i32>} : memref<16384xf32, #tpu.memory_space<vmem>>, vector<16xf32>,
          %parallel_loop3A_742 = arith.index_cast %parallel_loop3A_737 : i32 to index
          %parallel_loop3A_743 = tpu.vector_load %arg7[%parallel_loop3A_742] {strides = array<i32>} : memref<16384xf32, #tpu.memory_space<vmem>>, vector<16xf32>,
          %parallel_loop3A_744 = arith.subf %parallel_loop3A_739, %gather3A : vector<16xf32>
          %parallel_loop3A_745 = arith.subf %parallel_loop3A_741, %gather3A_64 : vector<16xf32>
          %parallel_loop3A_746 = arith.subf %parallel_loop3A_743, %gather3A_68 : vector<16xf32>
          %parallel_loop3A_747 = arith.mulf %parallel_loop3A_744, %parallel_loop3A_744 : vector<16xf32>
          %parallel_loop3A_748 = arith.mulf %parallel_loop3A_745, %parallel_loop3A_745 : vector<16xf32>
          %parallel_loop3A_749 = arith.addf %parallel_loop3A_747, %parallel_loop3A_748 : vector<16xf32>
          %parallel_loop3A_750 = arith.mulf %parallel_loop3A_746, %parallel_loop3A_746 : vector<16xf32>
          %parallel_loop3A_751 = arith.addf %parallel_loop3A_749, %parallel_loop3A_750 : vector<16xf32>
          %parallel_loop3A_752 = arith.constant 2.500000e-01 : f32
          %parallel_loop3A_753 = vector.broadcast %parallel_loop3A_752 : f32 to vector<16xf32>
          %parallel_loop3A_754 = arith.cmpf olt, %parallel_loop3A_751, %parallel_loop3A_753 : vector<16xf32>
          %parallel_loop3A_755 = vector.broadcast %parallel_loop3A_737 : i32 to vector<16xi32>
          %parallel_loop3A_756 = arith.addi %parallel_loop3A_755, %iota3A : vector<16xi32>
          %parallel_loop3A_757 = arith.index_cast %parallel_loop3A_735 : i32 to index
          %parallel_loop3A_758 = tpu.vector_load %arg9[%parallel_loop3A_757] masked %parallel_loop3A_754 {strides = array<i32>} : memref<16400xi32, #tpu.memory_space<vmem>>, vector<16xi32>, vector<16xi1>
          tpu.vector_store %arg9[%parallel_loop3A_757], %parallel_loop3A_756 masked %parallel_loop3A_754 {strides = array<i32>} : memref<16400xi32, #tpu.memory_space<vmem>>, vector<16xi32>, vector<16xi1>
          %parallel_loop3A_759 = tpu.all_reduce %parallel_loop3A_754 {dim = 0 : i64, kind = #tpu.reduction_kind<sum>} : vector<16xi1> -> vector<16xi32>
          %parallel_loop3A_760 = arith.constant true
          %parallel_loop3A_761 = vector.broadcast %parallel_loop3A_760 : i1 to vector<16xi1>
          %parallel_loop3A_762 = arith.constant -2147483648 : i32
          %parallel_loop3A_763 = vector.broadcast %parallel_loop3A_762 : i32 to vector<16xi32>
          %parallel_loop3A_764 = arith.xori %parallel_loop3A_759, %parallel_loop3A_763 : vector<16xi32>
          %parallel_loop3A_765 = tpu.scan <max>, %parallel_loop3A_764 masked %parallel_loop3A_761 : vector<16xi32>, vector<16xi1> -> vector<16xi32>
          %parallel_loop3A_766 = arith.xori %parallel_loop3A_765, %parallel_loop3A_763 : vector<16xi32>
          %parallel_loop3A_767 = vector.extract %parallel_loop3A_766[15] : i32 from vector<16xi32>
          %parallel_loop3A_768 = arith.addi %parallel_loop3A_735, %parallel_loop3A_767 : i32
          scf.yield %parallel_loop3A_768 : i32
        } {sc.loop_unroll_factor = 8 : i64, sc.parallel_access}
        %broadcast_in_dim3A_74 = vector.broadcast %parallel_loop3A_73 : i32 to vector<16xi32>
        %get3A = arith.constant 0 : index
        %get3A_75 = tpu.vector_load %arg9[%get3A] {strides = array<i32>} : memref<16400xi32, #tpu.memory_space<vmem>>, vector<16xi32>,
        %eq3A_76 = arith.constant 0 : i32
        %eq3A_77 = vector.broadcast %eq3A_76 : i32 to vector<16xi32>
        %eq3A_78 = arith.cmpi eq, %iota3A, %eq3A_77 : vector<16xi32>
        %swap3A_79 = arith.constant 0 : index
        %swap3A_80 = tpu.vector_load %arg13[%swap3A_79] masked %eq3A_78 {strides = array<i32>} : memref<128xi32, #tpu.memory_space<vmem>>, vector<16xi32>, vector<16xi1>
        tpu.vector_store %arg13[%swap3A_79], %get3A_75 masked %eq3A_78 {strides = array<i32>} : memref<128xi32, #tpu.memory_space<vmem>>, vector<16xi32>, vector<16xi1>
        %swap3A_81 = arith.constant 1 : index
        %swap3A_82 = tpu.vector_load %arg13[%swap3A_81] masked %eq3A_78 {strides = array<i32>} : memref<128xi32, #tpu.memory_space<vmem>>, vector<16xi32>, vector<16xi1>
        tpu.vector_store %arg13[%swap3A_81], %get3A_75 masked %eq3A_78 {strides = array<i32>} : memref<128xi32, #tpu.memory_space<vmem>>, vector<16xi32>, vector<16xi1>
        %swap3A_83 = arith.constant 2 : index
        %swap3A_84 = tpu.vector_load %arg13[%swap3A_83] masked %eq3A_78 {strides = array<i32>} : memref<128xi32, #tpu.memory_space<vmem>>, vector<16xi32>, vector<16xi1>
        tpu.vector_store %arg13[%swap3A_83], %get3A_75 masked %eq3A_78 {strides = array<i32>} : memref<128xi32, #tpu.memory_space<vmem>>, vector<16xi32>, vector<16xi1>
        %swap3A_85 = arith.constant 3 : index
        %swap3A_86 = tpu.vector_load %arg13[%swap3A_85] masked %eq3A_78 {strides = array<i32>} : memref<128xi32, #tpu.memory_space<vmem>>, vector<16xi32>, vector<16xi1>
        tpu.vector_store %arg13[%swap3A_85], %get3A_75 masked %eq3A_78 {strides = array<i32>} : memref<128xi32, #tpu.memory_space<vmem>>, vector<16xi32>, vector<16xi1>
        %swap3A_87 = arith.constant 4 : index
        %swap3A_88 = tpu.vector_load %arg13[%swap3A_87] masked %eq3A_78 {strides = array<i32>} : memref<128xi32, #tpu.memory_space<vmem>>, vector<16xi32>, vector<16xi1>
        tpu.vector_store %arg13[%swap3A_87], %get3A_75 masked %eq3A_78 {strides = array<i32>} : memref<128xi32, #tpu.memory_space<vmem>>, vector<16xi32>, vector<16xi1>
        %swap3A_89 = arith.constant 5 : index
        %swap3A_90 = tpu.vector_load %arg13[%swap3A_89] masked %eq3A_78 {strides = array<i32>} : memref<128xi32, #tpu.memory_space<vmem>>, vector<16xi32>, vector<16xi1>
        tpu.vector_store %arg13[%swap3A_89], %get3A_75 masked %eq3A_78 {strides = array<i32>} : memref<128xi32, #tpu.memory_space<vmem>>, vector<16xi32>, vector<16xi1>
        %swap3A_91 = arith.constant 6 : index
        %swap3A_92 = tpu.vector_load %arg13[%swap3A_91] masked %eq3A_78 {strides = array<i32>} : memref<128xi32, #tpu.memory_space<vmem>>, vector<16xi32>, vector<16xi1>
        tpu.vector_store %arg13[%swap3A_91], %get3A_75 masked %eq3A_78 {strides = array<i32>} : memref<128xi32, #tpu.memory_space<vmem>>, vector<16xi32>, vector<16xi1>
        %swap3A_93 = arith.constant 7 : index
        %swap3A_94 = tpu.vector_load %arg13[%swap3A_93] masked %eq3A_78 {strides = array<i32>} : memref<128xi32, #tpu.memory_space<vmem>>, vector<16xi32>, vector<16xi1>
        tpu.vector_store %arg13[%swap3A_93], %get3A_75 masked %eq3A_78 {strides = array<i32>} : memref<128xi32, #tpu.memory_space<vmem>>, vector<16xi32>, vector<16xi1>
        %swap3A_95 = arith.constant 8 : index
        %swap3A_96 = tpu.vector_load %arg13[%swap3A_95] masked %eq3A_78 {strides = array<i32>} : memref<128xi32, #tpu.memory_space<vmem>>, vector<16xi32>, vector<16xi1>
        tpu.vector_store %arg13[%swap3A_95], %get3A_75 masked %eq3A_78 {strides = array<i32>} : memref<128xi32, #tpu.memory_space<vmem>>, vector<16xi32>, vector<16xi1>
        %swap3A_97 = arith.constant 9 : index
        %swap3A_98 = tpu.vector_load %arg13[%swap3A_97] masked %eq3A_78 {strides = array<i32>} : memref<128xi32, #tpu.memory_space<vmem>>, vector<16xi32>, vector<16xi1>
        tpu.vector_store %arg13[%swap3A_97], %get3A_75 masked %eq3A_78 {strides = array<i32>} : memref<128xi32, #tpu.memory_space<vmem>>, vector<16xi32>, vector<16xi1>
        %swap3A_99 = arith.constant 10 : index
        %swap3A_100 = tpu.vector_load %arg13[%swap3A_99] masked %eq3A_78 {strides = array<i32>} : memref<128xi32, #tpu.memory_space<vmem>>, vector<16xi32>, vector<16xi1>
        tpu.vector_store %arg13[%swap3A_99], %get3A_75 masked %eq3A_78 {strides = array<i32>} : memref<128xi32, #tpu.memory_space<vmem>>, vector<16xi32>, vector<16xi1>
        %swap3A_101 = arith.constant 11 : index
        %swap3A_102 = tpu.vector_load %arg13[%swap3A_101] masked %eq3A_78 {strides = array<i32>} : memref<128xi32, #tpu.memory_space<vmem>>, vector<16xi32>, vector<16xi1>
        tpu.vector_store %arg13[%swap3A_101], %get3A_75 masked %eq3A_78 {strides = array<i32>} : memref<128xi32, #tpu.memory_space<vmem>>, vector<16xi32>, vector<16xi1>
        %swap3A_103 = arith.constant 12 : index
        %swap3A_104 = tpu.vector_load %arg13[%swap3A_103] masked %eq3A_78 {strides = array<i32>} : memref<128xi32, #tpu.memory_space<vmem>>, vector<16xi32>, vector<16xi1>
        tpu.vector_store %arg13[%swap3A_103], %get3A_75 masked %eq3A_78 {strides = array<i32>} : memref<128xi32, #tpu.memory_space<vmem>>, vector<16xi32>, vector<16xi1>
        %swap3A_105 = arith.constant 13 : index
        %swap3A_106 = tpu.vector_load %arg13[%swap3A_105] masked %eq3A_78 {strides = array<i32>} : memref<128xi32, #tpu.memory_space<vmem>>, vector<16xi32>, vector<16xi1>
        tpu.vector_store %arg13[%swap3A_105], %get3A_75 masked %eq3A_78 {strides = array<i32>} : memref<128xi32, #tpu.memory_space<vmem>>, vector<16xi32>, vector<16xi1>
        %swap3A_107 = arith.constant 14 : index
        %swap3A_108 = tpu.vector_load %arg13[%swap3A_107] masked %eq3A_78 {strides = array<i32>} : memref<128xi32, #tpu.memory_space<vmem>>, vector<16xi32>, vector<16xi1>
        tpu.vector_store %arg13[%swap3A_107], %get3A_75 masked %eq3A_78 {strides = array<i32>} : memref<128xi32, #tpu.memory_space<vmem>>, vector<16xi32>, vector<16xi1>
        %swap3A_109 = arith.constant 15 : index
        %swap3A_110 = tpu.vector_load %arg13[%swap3A_109] masked %eq3A_78 {strides = array<i32>} : memref<128xi32, #tpu.memory_space<vmem>>, vector<16xi32>, vector<16xi1>
        tpu.vector_store %arg13[%swap3A_109], %get3A_75 masked %eq3A_78 {strides = array<i32>} : memref<128xi32, #tpu.memory_space<vmem>>, vector<16xi32>, vector<16xi1>
        %get3A_111 = arith.constant 0 : index
        %get3A_112 = tpu.vector_load %arg13[%get3A_111] {strides = array<i32>} : memref<128xi32, #tpu.memory_space<vmem>>, vector<16xi32>,
        %add3A_113 = arith.constant 0 : i32
        %add3A_114 = vector.broadcast %add3A_113 : i32 to vector<16xi32>
        %add3A_115 = arith.addi %add3A_114, %iota3A : vector<16xi32>
        %get3A_116 = arith.constant 0 : index
        %get3A_117 = tpu.vector_load %arg9[%get3A_116] {strides = array<i32>} : memref<16400xi32, #tpu.memory_space<vmem>>, vector<16xi32>,
        %lt3A_118 = arith.cmpi slt, %add3A_115, %broadcast_in_dim3A_74 : vector<16xi32>
        %select_n3A_119 = arith.select %lt3A_118, %get3A_117, %get3A_112 : vector<16xi1>, vector<16xi32>
        %gather3A_120 = tpu.vector_load_idx %arg5[%select_n3A_119] : memref<16384xf32, #tpu.memory_space<vmem>>[vector<16xi32>], vector<16xf32>,
        %sub3A_121 = arith.subf %gather3A_120, %gather3A : vector<16xf32>
        %swap3A_122 = arith.constant 0 : index
        %swap3A_123 = tpu.vector_load %arg10[%swap3A_122] {strides = array<i32>} : memref<512xf32, #tpu.memory_space<vmem>>, vector<16xf32>,
        tpu.vector_store %arg10[%swap3A_122], %sub3A_121 {strides = array<i32>} : memref<512xf32, #tpu.memory_space<vmem>>, vector<16xf32>,
        %gather3A_124 = tpu.vector_load_idx %arg6[%select_n3A_119] : memref<16384xf32, #tpu.memory_space<vmem>>[vector<16xi32>], vector<16xf32>,
        %sub3A_125 = arith.subf %gather3A_124, %gather3A_64 : vector<16xf32>
        %swap3A_126 = arith.constant 0 : index
        %swap3A_127 = tpu.vector_load %arg11[%swap3A_126] {strides = array<i32>} : memref<512xf32, #tpu.memory_space<vmem>>, vector<16xf32>,
        tpu.vector_store %arg11[%swap3A_126], %sub3A_125 {strides = array<i32>} : memref<512xf32, #tpu.memory_space<vmem>>, vector<16xf32>,
        %gather3A_128 = tpu.vector_load_idx %arg7[%select_n3A_119] : memref<16384xf32, #tpu.memory_space<vmem>>[vector<16xi32>], vector<16xf32>,
        %sub3A_129 = arith.subf %gather3A_128, %gather3A_68 : vector<16xf32>
        %swap3A_130 = arith.constant 0 : index
        %swap3A_131 = tpu.vector_load %arg12[%swap3A_130] {strides = array<i32>} : memref<512xf32, #tpu.memory_space<vmem>>, vector<16xf32>,
        tpu.vector_store %arg12[%swap3A_130], %sub3A_129 {strides = array<i32>} : memref<512xf32, #tpu.memory_space<vmem>>, vector<16xf32>,
        %add3A_132 = arith.constant 16 : i32
        %add3A_133 = vector.broadcast %add3A_132 : i32 to vector<16xi32>
        %add3A_134 = arith.addi %add3A_133, %iota3A : vector<16xi32>
        %get3A_135 = arith.constant 16 : index
        %get3A_136 = tpu.vector_load %arg9[%get3A_135] {strides = array<i32>} : memref<16400xi32, #tpu.memory_space<vmem>>, vector<16xi32>,
        %lt3A_137 = arith.cmpi slt, %add3A_134, %broadcast_in_dim3A_74 : vector<16xi32>
        %select_n3A_138 = arith.select %lt3A_137, %get3A_136, %get3A_112 : vector<16xi1>, vector<16xi32>
        %gather3A_139 = tpu.vector_load_idx %arg5[%select_n3A_138] : memref<16384xf32, #tpu.memory_space<vmem>>[vector<16xi32>], vector<16xf32>,
        %sub3A_140 = arith.subf %gather3A_139, %gather3A : vector<16xf32>
        %swap3A_141 = arith.constant 16 : index
        %swap3A_142 = tpu.vector_load %arg10[%swap3A_141] {strides = array<i32>} : memref<512xf32, #tpu.memory_space<vmem>>, vector<16xf32>,
        tpu.vector_store %arg10[%swap3A_141], %sub3A_140 {strides = array<i32>} : memref<512xf32, #tpu.memory_space<vmem>>, vector<16xf32>,
        %gather3A_143 = tpu.vector_load_idx %arg6[%select_n3A_138] : memref<16384xf32, #tpu.memory_space<vmem>>[vector<16xi32>], vector<16xf32>,
        %sub3A_144 = arith.subf %gather3A_143, %gather3A_64 : vector<16xf32>
        %swap3A_145 = arith.constant 16 : index
        %swap3A_146 = tpu.vector_load %arg11[%swap3A_145] {strides = array<i32>} : memref<512xf32, #tpu.memory_space<vmem>>, vector<16xf32>,
        tpu.vector_store %arg11[%swap3A_145], %sub3A_144 {strides = array<i32>} : memref<512xf32, #tpu.memory_space<vmem>>, vector<16xf32>,
        %gather3A_147 = tpu.vector_load_idx %arg7[%select_n3A_138] : memref<16384xf32, #tpu.memory_space<vmem>>[vector<16xi32>], vector<16xf32>,
        %sub3A_148 = arith.subf %gather3A_147, %gather3A_68 : vector<16xf32>
        %swap3A_149 = arith.constant 16 : index
        %swap3A_150 = tpu.vector_load %arg12[%swap3A_149] {strides = array<i32>} : memref<512xf32, #tpu.memory_space<vmem>>, vector<16xf32>,
        tpu.vector_store %arg12[%swap3A_149], %sub3A_148 {strides = array<i32>} : memref<512xf32, #tpu.memory_space<vmem>>, vector<16xf32>,
        %add3A_151 = arith.constant 32 : i32
        %add3A_152 = vector.broadcast %add3A_151 : i32 to vector<16xi32>
        %add3A_153 = arith.addi %add3A_152, %iota3A : vector<16xi32>
        %get3A_154 = arith.constant 32 : index
        %get3A_155 = tpu.vector_load %arg9[%get3A_154] {strides = array<i32>} : memref<16400xi32, #tpu.memory_space<vmem>>, vector<16xi32>,
        %lt3A_156 = arith.cmpi slt, %add3A_153, %broadcast_in_dim3A_74 : vector<16xi32>
        %select_n3A_157 = arith.select %lt3A_156, %get3A_155, %get3A_112 : vector<16xi1>, vector<16xi32>
        %gather3A_158 = tpu.vector_load_idx %arg5[%select_n3A_157] : memref<16384xf32, #tpu.memory_space<vmem>>[vector<16xi32>], vector<16xf32>,
        %sub3A_159 = arith.subf %gather3A_158, %gather3A : vector<16xf32>
        %swap3A_160 = arith.constant 32 : index
        %swap3A_161 = tpu.vector_load %arg10[%swap3A_160] {strides = array<i32>} : memref<512xf32, #tpu.memory_space<vmem>>, vector<16xf32>,
        tpu.vector_store %arg10[%swap3A_160], %sub3A_159 {strides = array<i32>} : memref<512xf32, #tpu.memory_space<vmem>>, vector<16xf32>,
        %gather3A_162 = tpu.vector_load_idx %arg6[%select_n3A_157] : memref<16384xf32, #tpu.memory_space<vmem>>[vector<16xi32>], vector<16xf32>,
        %sub3A_163 = arith.subf %gather3A_162, %gather3A_64 : vector<16xf32>
        %swap3A_164 = arith.constant 32 : index
        %swap3A_165 = tpu.vector_load %arg11[%swap3A_164] {strides = array<i32>} : memref<512xf32, #tpu.memory_space<vmem>>, vector<16xf32>,
        tpu.vector_store %arg11[%swap3A_164], %sub3A_163 {strides = array<i32>} : memref<512xf32, #tpu.memory_space<vmem>>, vector<16xf32>,
        %gather3A_166 = tpu.vector_load_idx %arg7[%select_n3A_157] : memref<16384xf32, #tpu.memory_space<vmem>>[vector<16xi32>], vector<16xf32>,
        %sub3A_167 = arith.subf %gather3A_166, %gather3A_68 : vector<16xf32>
        %swap3A_168 = arith.constant 32 : index
        %swap3A_169 = tpu.vector_load %arg12[%swap3A_168] {strides = array<i32>} : memref<512xf32, #tpu.memory_space<vmem>>, vector<16xf32>,
        tpu.vector_store %arg12[%swap3A_168], %sub3A_167 {strides = array<i32>} : memref<512xf32, #tpu.memory_space<vmem>>, vector<16xf32>,
        %add3A_170 = arith.constant 48 : i32
        %add3A_171 = vector.broadcast %add3A_170 : i32 to vector<16xi32>
        %add3A_172 = arith.addi %add3A_171, %iota3A : vector<16xi32>
        %get3A_173 = arith.constant 48 : index
        %get3A_174 = tpu.vector_load %arg9[%get3A_173] {strides = array<i32>} : memref<16400xi32, #tpu.memory_space<vmem>>, vector<16xi32>,
        %lt3A_175 = arith.cmpi slt, %add3A_172, %broadcast_in_dim3A_74 : vector<16xi32>
        %select_n3A_176 = arith.select %lt3A_175, %get3A_174, %get3A_112 : vector<16xi1>, vector<16xi32>
        %gather3A_177 = tpu.vector_load_idx %arg5[%select_n3A_176] : memref<16384xf32, #tpu.memory_space<vmem>>[vector<16xi32>], vector<16xf32>,
        %sub3A_178 = arith.subf %gather3A_177, %gather3A : vector<16xf32>
        %swap3A_179 = arith.constant 48 : index
        %swap3A_180 = tpu.vector_load %arg10[%swap3A_179] {strides = array<i32>} : memref<512xf32, #tpu.memory_space<vmem>>, vector<16xf32>,
        tpu.vector_store %arg10[%swap3A_179], %sub3A_178 {strides = array<i32>} : memref<512xf32, #tpu.memory_space<vmem>>, vector<16xf32>,
        %gather3A_181 = tpu.vector_load_idx %arg6[%select_n3A_176] : memref<16384xf32, #tpu.memory_space<vmem>>[vector<16xi32>], vector<16xf32>,
        %sub3A_182 = arith.subf %gather3A_181, %gather3A_64 : vector<16xf32>
        %swap3A_183 = arith.constant 48 : index
        %swap3A_184 = tpu.vector_load %arg11[%swap3A_183] {strides = array<i32>} : memref<512xf32, #tpu.memory_space<vmem>>, vector<16xf32>,
        tpu.vector_store %arg11[%swap3A_183], %sub3A_182 {strides = array<i32>} : memref<512xf32, #tpu.memory_space<vmem>>, vector<16xf32>,
        %gather3A_185 = tpu.vector_load_idx %arg7[%select_n3A_176] : memref<16384xf32, #tpu.memory_space<vmem>>[vector<16xi32>], vector<16xf32>,
        %sub3A_186 = arith.subf %gather3A_185, %gather3A_68 : vector<16xf32>
        %swap3A_187 = arith.constant 48 : index
        %swap3A_188 = tpu.vector_load %arg12[%swap3A_187] {strides = array<i32>} : memref<512xf32, #tpu.memory_space<vmem>>, vector<16xf32>,
        tpu.vector_store %arg12[%swap3A_187], %sub3A_186 {strides = array<i32>} : memref<512xf32, #tpu.memory_space<vmem>>, vector<16xf32>,
        %add3A_189 = arith.constant 64 : i32
        %add3A_190 = vector.broadcast %add3A_189 : i32 to vector<16xi32>
        %add3A_191 = arith.addi %add3A_190, %iota3A : vector<16xi32>
        %get3A_192 = arith.constant 64 : index
        %get3A_193 = tpu.vector_load %arg9[%get3A_192] {strides = array<i32>} : memref<16400xi32, #tpu.memory_space<vmem>>, vector<16xi32>,
        %lt3A_194 = arith.cmpi slt, %add3A_191, %broadcast_in_dim3A_74 : vector<16xi32>
        %select_n3A_195 = arith.select %lt3A_194, %get3A_193, %get3A_112 : vector<16xi1>, vector<16xi32>
        %gather3A_196 = tpu.vector_load_idx %arg5[%select_n3A_195] : memref<16384xf32, #tpu.memory_space<vmem>>[vector<16xi32>], vector<16xf32>,
        %sub3A_197 = arith.subf %gather3A_196, %gather3A : vector<16xf32>
        %swap3A_198 = arith.constant 64 : index
        %swap3A_199 = tpu.vector_load %arg10[%swap3A_198] {strides = array<i32>} : memref<512xf32, #tpu.memory_space<vmem>>, vector<16xf32>,
        tpu.vector_store %arg10[%swap3A_198], %sub3A_197 {strides = array<i32>} : memref<512xf32, #tpu.memory_space<vmem>>, vector<16xf32>,
        %gather3A_200 = tpu.vector_load_idx %arg6[%select_n3A_195] : memref<16384xf32, #tpu.memory_space<vmem>>[vector<16xi32>], vector<16xf32>,
        %sub3A_201 = arith.subf %gather3A_200, %gather3A_64 : vector<16xf32>
        %swap3A_202 = arith.constant 64 : index
        %swap3A_203 = tpu.vector_load %arg11[%swap3A_202] {strides = array<i32>} : memref<512xf32, #tpu.memory_space<vmem>>, vector<16xf32>,
        tpu.vector_store %arg11[%swap3A_202], %sub3A_201 {strides = array<i32>} : memref<512xf32, #tpu.memory_space<vmem>>, vector<16xf32>,
        %gather3A_204 = tpu.vector_load_idx %arg7[%select_n3A_195] : memref<16384xf32, #tpu.memory_space<vmem>>[vector<16xi32>], vector<16xf32>,
        %sub3A_205 = arith.subf %gather3A_204, %gather3A_68 : vector<16xf32>
        %swap3A_206 = arith.constant 64 : index
        %swap3A_207 = tpu.vector_load %arg12[%swap3A_206] {strides = array<i32>} : memref<512xf32, #tpu.memory_space<vmem>>, vector<16xf32>,
        tpu.vector_store %arg12[%swap3A_206], %sub3A_205 {strides = array<i32>} : memref<512xf32, #tpu.memory_space<vmem>>, vector<16xf32>,
        %add3A_208 = arith.constant 80 : i32
        %add3A_209 = vector.broadcast %add3A_208 : i32 to vector<16xi32>
        %add3A_210 = arith.addi %add3A_209, %iota3A : vector<16xi32>
        %get3A_211 = arith.constant 80 : index
        %get3A_212 = tpu.vector_load %arg9[%get3A_211] {strides = array<i32>} : memref<16400xi32, #tpu.memory_space<vmem>>, vector<16xi32>,
        %lt3A_213 = arith.cmpi slt, %add3A_210, %broadcast_in_dim3A_74 : vector<16xi32>
        %select_n3A_214 = arith.select %lt3A_213, %get3A_212, %get3A_112 : vector<16xi1>, vector<16xi32>
        %gather3A_215 = tpu.vector_load_idx %arg5[%select_n3A_214] : memref<16384xf32, #tpu.memory_space<vmem>>[vector<16xi32>], vector<16xf32>,
        %sub3A_216 = arith.subf %gather3A_215, %gather3A : vector<16xf32>
        %swap3A_217 = arith.constant 80 : index
        %swap3A_218 = tpu.vector_load %arg10[%swap3A_217] {strides = array<i32>} : memref<512xf32, #tpu.memory_space<vmem>>, vector<16xf32>,
        tpu.vector_store %arg10[%swap3A_217], %sub3A_216 {strides = array<i32>} : memref<512xf32, #tpu.memory_space<vmem>>, vector<16xf32>,
        %gather3A_219 = tpu.vector_load_idx %arg6[%select_n3A_214] : memref<16384xf32, #tpu.memory_space<vmem>>[vector<16xi32>], vector<16xf32>,
        %sub3A_220 = arith.subf %gather3A_219, %gather3A_64 : vector<16xf32>
        %swap3A_221 = arith.constant 80 : index
        %swap3A_222 = tpu.vector_load %arg11[%swap3A_221] {strides = array<i32>} : memref<512xf32, #tpu.memory_space<vmem>>, vector<16xf32>,
        tpu.vector_store %arg11[%swap3A_221], %sub3A_220 {strides = array<i32>} : memref<512xf32, #tpu.memory_space<vmem>>, vector<16xf32>,
        %gather3A_223 = tpu.vector_load_idx %arg7[%select_n3A_214] : memref<16384xf32, #tpu.memory_space<vmem>>[vector<16xi32>], vector<16xf32>,
        %sub3A_224 = arith.subf %gather3A_223, %gather3A_68 : vector<16xf32>
        %swap3A_225 = arith.constant 80 : index
        %swap3A_226 = tpu.vector_load %arg12[%swap3A_225] {strides = array<i32>} : memref<512xf32, #tpu.memory_space<vmem>>, vector<16xf32>,
        tpu.vector_store %arg12[%swap3A_225], %sub3A_224 {strides = array<i32>} : memref<512xf32, #tpu.memory_space<vmem>>, vector<16xf32>,
        %add3A_227 = arith.constant 96 : i32
        %add3A_228 = vector.broadcast %add3A_227 : i32 to vector<16xi32>
        %add3A_229 = arith.addi %add3A_228, %iota3A : vector<16xi32>
        %get3A_230 = arith.constant 96 : index
        %get3A_231 = tpu.vector_load %arg9[%get3A_230] {strides = array<i32>} : memref<16400xi32, #tpu.memory_space<vmem>>, vector<16xi32>,
        %lt3A_232 = arith.cmpi slt, %add3A_229, %broadcast_in_dim3A_74 : vector<16xi32>
        %select_n3A_233 = arith.select %lt3A_232, %get3A_231, %get3A_112 : vector<16xi1>, vector<16xi32>
        %gather3A_234 = tpu.vector_load_idx %arg5[%select_n3A_233] : memref<16384xf32, #tpu.memory_space<vmem>>[vector<16xi32>], vector<16xf32>,
        %sub3A_235 = arith.subf %gather3A_234, %gather3A : vector<16xf32>
        %swap3A_236 = arith.constant 96 : index
        %swap3A_237 = tpu.vector_load %arg10[%swap3A_236] {strides = array<i32>} : memref<512xf32, #tpu.memory_space<vmem>>, vector<16xf32>,
        tpu.vector_store %arg10[%swap3A_236], %sub3A_235 {strides = array<i32>} : memref<512xf32, #tpu.memory_space<vmem>>, vector<16xf32>,
        %gather3A_238 = tpu.vector_load_idx %arg6[%select_n3A_233] : memref<16384xf32, #tpu.memory_space<vmem>>[vector<16xi32>], vector<16xf32>,
        %sub3A_239 = arith.subf %gather3A_238, %gather3A_64 : vector<16xf32>
        %swap3A_240 = arith.constant 96 : index
        %swap3A_241 = tpu.vector_load %arg11[%swap3A_240] {strides = array<i32>} : memref<512xf32, #tpu.memory_space<vmem>>, vector<16xf32>,
        tpu.vector_store %arg11[%swap3A_240], %sub3A_239 {strides = array<i32>} : memref<512xf32, #tpu.memory_space<vmem>>, vector<16xf32>,
        %gather3A_242 = tpu.vector_load_idx %arg7[%select_n3A_233] : memref<16384xf32, #tpu.memory_space<vmem>>[vector<16xi32>], vector<16xf32>,
        %sub3A_243 = arith.subf %gather3A_242, %gather3A_68 : vector<16xf32>
        %swap3A_244 = arith.constant 96 : index
        %swap3A_245 = tpu.vector_load %arg12[%swap3A_244] {strides = array<i32>} : memref<512xf32, #tpu.memory_space<vmem>>, vector<16xf32>,
        tpu.vector_store %arg12[%swap3A_244], %sub3A_243 {strides = array<i32>} : memref<512xf32, #tpu.memory_space<vmem>>, vector<16xf32>,
        %add3A_246 = arith.constant 112 : i32
        %add3A_247 = vector.broadcast %add3A_246 : i32 to vector<16xi32>
        %add3A_248 = arith.addi %add3A_247, %iota3A : vector<16xi32>
        %get3A_249 = arith.constant 112 : index
        %get3A_250 = tpu.vector_load %arg9[%get3A_249] {strides = array<i32>} : memref<16400xi32, #tpu.memory_space<vmem>>, vector<16xi32>,
        %lt3A_251 = arith.cmpi slt, %add3A_248, %broadcast_in_dim3A_74 : vector<16xi32>
        %select_n3A_252 = arith.select %lt3A_251, %get3A_250, %get3A_112 : vector<16xi1>, vector<16xi32>
        %gather3A_253 = tpu.vector_load_idx %arg5[%select_n3A_252] : memref<16384xf32, #tpu.memory_space<vmem>>[vector<16xi32>], vector<16xf32>,
        %sub3A_254 = arith.subf %gather3A_253, %gather3A : vector<16xf32>
        %swap3A_255 = arith.constant 112 : index
        %swap3A_256 = tpu.vector_load %arg10[%swap3A_255] {strides = array<i32>} : memref<512xf32, #tpu.memory_space<vmem>>, vector<16xf32>,
        tpu.vector_store %arg10[%swap3A_255], %sub3A_254 {strides = array<i32>} : memref<512xf32, #tpu.memory_space<vmem>>, vector<16xf32>,
        %gather3A_257 = tpu.vector_load_idx %arg6[%select_n3A_252] : memref<16384xf32, #tpu.memory_space<vmem>>[vector<16xi32>], vector<16xf32>,
        %sub3A_258 = arith.subf %gather3A_257, %gather3A_64 : vector<16xf32>
        %swap3A_259 = arith.constant 112 : index
        %swap3A_260 = tpu.vector_load %arg11[%swap3A_259] {strides = array<i32>} : memref<512xf32, #tpu.memory_space<vmem>>, vector<16xf32>,
        tpu.vector_store %arg11[%swap3A_259], %sub3A_258 {strides = array<i32>} : memref<512xf32, #tpu.memory_space<vmem>>, vector<16xf32>,
        %gather3A_261 = tpu.vector_load_idx %arg7[%select_n3A_252] : memref<16384xf32, #tpu.memory_space<vmem>>[vector<16xi32>], vector<16xf32>,
        %sub3A_262 = arith.subf %gather3A_261, %gather3A_68 : vector<16xf32>
        %swap3A_263 = arith.constant 112 : index
        %swap3A_264 = tpu.vector_load %arg12[%swap3A_263] {strides = array<i32>} : memref<512xf32, #tpu.memory_space<vmem>>, vector<16xf32>,
        tpu.vector_store %arg12[%swap3A_263], %sub3A_262 {strides = array<i32>} : memref<512xf32, #tpu.memory_space<vmem>>, vector<16xf32>,
        %add3A_265 = arith.constant 128 : i32
        %add3A_266 = vector.broadcast %add3A_265 : i32 to vector<16xi32>
        %add3A_267 = arith.addi %add3A_266, %iota3A : vector<16xi32>
        %get3A_268 = arith.constant 128 : index
        %get3A_269 = tpu.vector_load %arg9[%get3A_268] {strides = array<i32>} : memref<16400xi32, #tpu.memory_space<vmem>>, vector<16xi32>,
        %lt3A_270 = arith.cmpi slt, %add3A_267, %broadcast_in_dim3A_74 : vector<16xi32>
        %select_n3A_271 = arith.select %lt3A_270, %get3A_269, %get3A_112 : vector<16xi1>, vector<16xi32>
        %gather3A_272 = tpu.vector_load_idx %arg5[%select_n3A_271] : memref<16384xf32, #tpu.memory_space<vmem>>[vector<16xi32>], vector<16xf32>,
        %sub3A_273 = arith.subf %gather3A_272, %gather3A : vector<16xf32>
        %swap3A_274 = arith.constant 128 : index
        %swap3A_275 = tpu.vector_load %arg10[%swap3A_274] {strides = array<i32>} : memref<512xf32, #tpu.memory_space<vmem>>, vector<16xf32>,
        tpu.vector_store %arg10[%swap3A_274], %sub3A_273 {strides = array<i32>} : memref<512xf32, #tpu.memory_space<vmem>>, vector<16xf32>,
        %gather3A_276 = tpu.vector_load_idx %arg6[%select_n3A_271] : memref<16384xf32, #tpu.memory_space<vmem>>[vector<16xi32>], vector<16xf32>,
        %sub3A_277 = arith.subf %gather3A_276, %gather3A_64 : vector<16xf32>
        %swap3A_278 = arith.constant 128 : index
        %swap3A_279 = tpu.vector_load %arg11[%swap3A_278] {strides = array<i32>} : memref<512xf32, #tpu.memory_space<vmem>>, vector<16xf32>,
        tpu.vector_store %arg11[%swap3A_278], %sub3A_277 {strides = array<i32>} : memref<512xf32, #tpu.memory_space<vmem>>, vector<16xf32>,
        %gather3A_280 = tpu.vector_load_idx %arg7[%select_n3A_271] : memref<16384xf32, #tpu.memory_space<vmem>>[vector<16xi32>], vector<16xf32>,
        %sub3A_281 = arith.subf %gather3A_280, %gather3A_68 : vector<16xf32>
        %swap3A_282 = arith.constant 128 : index
        %swap3A_283 = tpu.vector_load %arg12[%swap3A_282] {strides = array<i32>} : memref<512xf32, #tpu.memory_space<vmem>>, vector<16xf32>,
        tpu.vector_store %arg12[%swap3A_282], %sub3A_281 {strides = array<i32>} : memref<512xf32, #tpu.memory_space<vmem>>, vector<16xf32>,
        %add3A_284 = arith.constant 144 : i32
        %add3A_285 = vector.broadcast %add3A_284 : i32 to vector<16xi32>
        %add3A_286 = arith.addi %add3A_285, %iota3A : vector<16xi32>
        %get3A_287 = arith.constant 144 : index
        %get3A_288 = tpu.vector_load %arg9[%get3A_287] {strides = array<i32>} : memref<16400xi32, #tpu.memory_space<vmem>>, vector<16xi32>,
        %lt3A_289 = arith.cmpi slt, %add3A_286, %broadcast_in_dim3A_74 : vector<16xi32>
        %select_n3A_290 = arith.select %lt3A_289, %get3A_288, %get3A_112 : vector<16xi1>, vector<16xi32>
        %gather3A_291 = tpu.vector_load_idx %arg5[%select_n3A_290] : memref<16384xf32, #tpu.memory_space<vmem>>[vector<16xi32>], vector<16xf32>,
        %sub3A_292 = arith.subf %gather3A_291, %gather3A : vector<16xf32>
        %swap3A_293 = arith.constant 144 : index
        %swap3A_294 = tpu.vector_load %arg10[%swap3A_293] {strides = array<i32>} : memref<512xf32, #tpu.memory_space<vmem>>, vector<16xf32>,
        tpu.vector_store %arg10[%swap3A_293], %sub3A_292 {strides = array<i32>} : memref<512xf32, #tpu.memory_space<vmem>>, vector<16xf32>,
        %gather3A_295 = tpu.vector_load_idx %arg6[%select_n3A_290] : memref<16384xf32, #tpu.memory_space<vmem>>[vector<16xi32>], vector<16xf32>,
        %sub3A_296 = arith.subf %gather3A_295, %gather3A_64 : vector<16xf32>
        %swap3A_297 = arith.constant 144 : index
        %swap3A_298 = tpu.vector_load %arg11[%swap3A_297] {strides = array<i32>} : memref<512xf32, #tpu.memory_space<vmem>>, vector<16xf32>,
        tpu.vector_store %arg11[%swap3A_297], %sub3A_296 {strides = array<i32>} : memref<512xf32, #tpu.memory_space<vmem>>, vector<16xf32>,
        %gather3A_299 = tpu.vector_load_idx %arg7[%select_n3A_290] : memref<16384xf32, #tpu.memory_space<vmem>>[vector<16xi32>], vector<16xf32>,
        %sub3A_300 = arith.subf %gather3A_299, %gather3A_68 : vector<16xf32>
        %swap3A_301 = arith.constant 144 : index
        %swap3A_302 = tpu.vector_load %arg12[%swap3A_301] {strides = array<i32>} : memref<512xf32, #tpu.memory_space<vmem>>, vector<16xf32>,
        tpu.vector_store %arg12[%swap3A_301], %sub3A_300 {strides = array<i32>} : memref<512xf32, #tpu.memory_space<vmem>>, vector<16xf32>,
        %add3A_303 = arith.constant 160 : i32
        %add3A_304 = vector.broadcast %add3A_303 : i32 to vector<16xi32>
        %add3A_305 = arith.addi %add3A_304, %iota3A : vector<16xi32>
        %get3A_306 = arith.constant 160 : index
        %get3A_307 = tpu.vector_load %arg9[%get3A_306] {strides = array<i32>} : memref<16400xi32, #tpu.memory_space<vmem>>, vector<16xi32>,
        %lt3A_308 = arith.cmpi slt, %add3A_305, %broadcast_in_dim3A_74 : vector<16xi32>
        %select_n3A_309 = arith.select %lt3A_308, %get3A_307, %get3A_112 : vector<16xi1>, vector<16xi32>
        %gather3A_310 = tpu.vector_load_idx %arg5[%select_n3A_309] : memref<16384xf32, #tpu.memory_space<vmem>>[vector<16xi32>], vector<16xf32>,
        %sub3A_311 = arith.subf %gather3A_310, %gather3A : vector<16xf32>
        %swap3A_312 = arith.constant 160 : index
        %swap3A_313 = tpu.vector_load %arg10[%swap3A_312] {strides = array<i32>} : memref<512xf32, #tpu.memory_space<vmem>>, vector<16xf32>,
        tpu.vector_store %arg10[%swap3A_312], %sub3A_311 {strides = array<i32>} : memref<512xf32, #tpu.memory_space<vmem>>, vector<16xf32>,
        %gather3A_314 = tpu.vector_load_idx %arg6[%select_n3A_309] : memref<16384xf32, #tpu.memory_space<vmem>>[vector<16xi32>], vector<16xf32>,
        %sub3A_315 = arith.subf %gather3A_314, %gather3A_64 : vector<16xf32>
        %swap3A_316 = arith.constant 160 : index
        %swap3A_317 = tpu.vector_load %arg11[%swap3A_316] {strides = array<i32>} : memref<512xf32, #tpu.memory_space<vmem>>, vector<16xf32>,
        tpu.vector_store %arg11[%swap3A_316], %sub3A_315 {strides = array<i32>} : memref<512xf32, #tpu.memory_space<vmem>>, vector<16xf32>,
        %gather3A_318 = tpu.vector_load_idx %arg7[%select_n3A_309] : memref<16384xf32, #tpu.memory_space<vmem>>[vector<16xi32>], vector<16xf32>,
        %sub3A_319 = arith.subf %gather3A_318, %gather3A_68 : vector<16xf32>
        %swap3A_320 = arith.constant 160 : index
        %swap3A_321 = tpu.vector_load %arg12[%swap3A_320] {strides = array<i32>} : memref<512xf32, #tpu.memory_space<vmem>>, vector<16xf32>,
        tpu.vector_store %arg12[%swap3A_320], %sub3A_319 {strides = array<i32>} : memref<512xf32, #tpu.memory_space<vmem>>, vector<16xf32>,
        %add3A_322 = arith.constant 176 : i32
        %add3A_323 = vector.broadcast %add3A_322 : i32 to vector<16xi32>
        %add3A_324 = arith.addi %add3A_323, %iota3A : vector<16xi32>
        %get3A_325 = arith.constant 176 : index
        %get3A_326 = tpu.vector_load %arg9[%get3A_325] {strides = array<i32>} : memref<16400xi32, #tpu.memory_space<vmem>>, vector<16xi32>,
        %lt3A_327 = arith.cmpi slt, %add3A_324, %broadcast_in_dim3A_74 : vector<16xi32>
        %select_n3A_328 = arith.select %lt3A_327, %get3A_326, %get3A_112 : vector<16xi1>, vector<16xi32>
        %gather3A_329 = tpu.vector_load_idx %arg5[%select_n3A_328] : memref<16384xf32, #tpu.memory_space<vmem>>[vector<16xi32>], vector<16xf32>,
        %sub3A_330 = arith.subf %gather3A_329, %gather3A : vector<16xf32>
        %swap3A_331 = arith.constant 176 : index
        %swap3A_332 = tpu.vector_load %arg10[%swap3A_331] {strides = array<i32>} : memref<512xf32, #tpu.memory_space<vmem>>, vector<16xf32>,
        tpu.vector_store %arg10[%swap3A_331], %sub3A_330 {strides = array<i32>} : memref<512xf32, #tpu.memory_space<vmem>>, vector<16xf32>,
        %gather3A_333 = tpu.vector_load_idx %arg6[%select_n3A_328] : memref<16384xf32, #tpu.memory_space<vmem>>[vector<16xi32>], vector<16xf32>,
        %sub3A_334 = arith.subf %gather3A_333, %gather3A_64 : vector<16xf32>
        %swap3A_335 = arith.constant 176 : index
        %swap3A_336 = tpu.vector_load %arg11[%swap3A_335] {strides = array<i32>} : memref<512xf32, #tpu.memory_space<vmem>>, vector<16xf32>,
        tpu.vector_store %arg11[%swap3A_335], %sub3A_334 {strides = array<i32>} : memref<512xf32, #tpu.memory_space<vmem>>, vector<16xf32>,
        %gather3A_337 = tpu.vector_load_idx %arg7[%select_n3A_328] : memref<16384xf32, #tpu.memory_space<vmem>>[vector<16xi32>], vector<16xf32>,
        %sub3A_338 = arith.subf %gather3A_337, %gather3A_68 : vector<16xf32>
        %swap3A_339 = arith.constant 176 : index
        %swap3A_340 = tpu.vector_load %arg12[%swap3A_339] {strides = array<i32>} : memref<512xf32, #tpu.memory_space<vmem>>, vector<16xf32>,
        tpu.vector_store %arg12[%swap3A_339], %sub3A_338 {strides = array<i32>} : memref<512xf32, #tpu.memory_space<vmem>>, vector<16xf32>,
        %add3A_341 = arith.constant 192 : i32
        %add3A_342 = vector.broadcast %add3A_341 : i32 to vector<16xi32>
        %add3A_343 = arith.addi %add3A_342, %iota3A : vector<16xi32>
        %get3A_344 = arith.constant 192 : index
        %get3A_345 = tpu.vector_load %arg9[%get3A_344] {strides = array<i32>} : memref<16400xi32, #tpu.memory_space<vmem>>, vector<16xi32>,
        %lt3A_346 = arith.cmpi slt, %add3A_343, %broadcast_in_dim3A_74 : vector<16xi32>
        %select_n3A_347 = arith.select %lt3A_346, %get3A_345, %get3A_112 : vector<16xi1>, vector<16xi32>
        %gather3A_348 = tpu.vector_load_idx %arg5[%select_n3A_347] : memref<16384xf32, #tpu.memory_space<vmem>>[vector<16xi32>], vector<16xf32>,
        %sub3A_349 = arith.subf %gather3A_348, %gather3A : vector<16xf32>
        %swap3A_350 = arith.constant 192 : index
        %swap3A_351 = tpu.vector_load %arg10[%swap3A_350] {strides = array<i32>} : memref<512xf32, #tpu.memory_space<vmem>>, vector<16xf32>,
        tpu.vector_store %arg10[%swap3A_350], %sub3A_349 {strides = array<i32>} : memref<512xf32, #tpu.memory_space<vmem>>, vector<16xf32>,
        %gather3A_352 = tpu.vector_load_idx %arg6[%select_n3A_347] : memref<16384xf32, #tpu.memory_space<vmem>>[vector<16xi32>], vector<16xf32>,
        %sub3A_353 = arith.subf %gather3A_352, %gather3A_64 : vector<16xf32>
        %swap3A_354 = arith.constant 192 : index
        %swap3A_355 = tpu.vector_load %arg11[%swap3A_354] {strides = array<i32>} : memref<512xf32, #tpu.memory_space<vmem>>, vector<16xf32>,
        tpu.vector_store %arg11[%swap3A_354], %sub3A_353 {strides = array<i32>} : memref<512xf32, #tpu.memory_space<vmem>>, vector<16xf32>,
        %gather3A_356 = tpu.vector_load_idx %arg7[%select_n3A_347] : memref<16384xf32, #tpu.memory_space<vmem>>[vector<16xi32>], vector<16xf32>,
        %sub3A_357 = arith.subf %gather3A_356, %gather3A_68 : vector<16xf32>
        %swap3A_358 = arith.constant 192 : index
        %swap3A_359 = tpu.vector_load %arg12[%swap3A_358] {strides = array<i32>} : memref<512xf32, #tpu.memory_space<vmem>>, vector<16xf32>,
        tpu.vector_store %arg12[%swap3A_358], %sub3A_357 {strides = array<i32>} : memref<512xf32, #tpu.memory_space<vmem>>, vector<16xf32>,
        %add3A_360 = arith.constant 208 : i32
        %add3A_361 = vector.broadcast %add3A_360 : i32 to vector<16xi32>
        %add3A_362 = arith.addi %add3A_361, %iota3A : vector<16xi32>
        %get3A_363 = arith.constant 208 : index
        %get3A_364 = tpu.vector_load %arg9[%get3A_363] {strides = array<i32>} : memref<16400xi32, #tpu.memory_space<vmem>>, vector<16xi32>,
        %lt3A_365 = arith.cmpi slt, %add3A_362, %broadcast_in_dim3A_74 : vector<16xi32>
        %select_n3A_366 = arith.select %lt3A_365, %get3A_364, %get3A_112 : vector<16xi1>, vector<16xi32>
        %gather3A_367 = tpu.vector_load_idx %arg5[%select_n3A_366] : memref<16384xf32, #tpu.memory_space<vmem>>[vector<16xi32>], vector<16xf32>,
        %sub3A_368 = arith.subf %gather3A_367, %gather3A : vector<16xf32>
        %swap3A_369 = arith.constant 208 : index
        %swap3A_370 = tpu.vector_load %arg10[%swap3A_369] {strides = array<i32>} : memref<512xf32, #tpu.memory_space<vmem>>, vector<16xf32>,
        tpu.vector_store %arg10[%swap3A_369], %sub3A_368 {strides = array<i32>} : memref<512xf32, #tpu.memory_space<vmem>>, vector<16xf32>,
        %gather3A_371 = tpu.vector_load_idx %arg6[%select_n3A_366] : memref<16384xf32, #tpu.memory_space<vmem>>[vector<16xi32>], vector<16xf32>,
        %sub3A_372 = arith.subf %gather3A_371, %gather3A_64 : vector<16xf32>
        %swap3A_373 = arith.constant 208 : index
        %swap3A_374 = tpu.vector_load %arg11[%swap3A_373] {strides = array<i32>} : memref<512xf32, #tpu.memory_space<vmem>>, vector<16xf32>,
        tpu.vector_store %arg11[%swap3A_373], %sub3A_372 {strides = array<i32>} : memref<512xf32, #tpu.memory_space<vmem>>, vector<16xf32>,
        %gather3A_375 = tpu.vector_load_idx %arg7[%select_n3A_366] : memref<16384xf32, #tpu.memory_space<vmem>>[vector<16xi32>], vector<16xf32>,
        %sub3A_376 = arith.subf %gather3A_375, %gather3A_68 : vector<16xf32>
        %swap3A_377 = arith.constant 208 : index
        %swap3A_378 = tpu.vector_load %arg12[%swap3A_377] {strides = array<i32>} : memref<512xf32, #tpu.memory_space<vmem>>, vector<16xf32>,
        tpu.vector_store %arg12[%swap3A_377], %sub3A_376 {strides = array<i32>} : memref<512xf32, #tpu.memory_space<vmem>>, vector<16xf32>,
        %add3A_379 = arith.constant 224 : i32
        %add3A_380 = vector.broadcast %add3A_379 : i32 to vector<16xi32>
        %add3A_381 = arith.addi %add3A_380, %iota3A : vector<16xi32>
        %get3A_382 = arith.constant 224 : index
        %get3A_383 = tpu.vector_load %arg9[%get3A_382] {strides = array<i32>} : memref<16400xi32, #tpu.memory_space<vmem>>, vector<16xi32>,
        %lt3A_384 = arith.cmpi slt, %add3A_381, %broadcast_in_dim3A_74 : vector<16xi32>
        %select_n3A_385 = arith.select %lt3A_384, %get3A_383, %get3A_112 : vector<16xi1>, vector<16xi32>
        %gather3A_386 = tpu.vector_load_idx %arg5[%select_n3A_385] : memref<16384xf32, #tpu.memory_space<vmem>>[vector<16xi32>], vector<16xf32>,
        %sub3A_387 = arith.subf %gather3A_386, %gather3A : vector<16xf32>
        %swap3A_388 = arith.constant 224 : index
        %swap3A_389 = tpu.vector_load %arg10[%swap3A_388] {strides = array<i32>} : memref<512xf32, #tpu.memory_space<vmem>>, vector<16xf32>,
        tpu.vector_store %arg10[%swap3A_388], %sub3A_387 {strides = array<i32>} : memref<512xf32, #tpu.memory_space<vmem>>, vector<16xf32>,
        %gather3A_390 = tpu.vector_load_idx %arg6[%select_n3A_385] : memref<16384xf32, #tpu.memory_space<vmem>>[vector<16xi32>], vector<16xf32>,
        %sub3A_391 = arith.subf %gather3A_390, %gather3A_64 : vector<16xf32>
        %swap3A_392 = arith.constant 224 : index
        %swap3A_393 = tpu.vector_load %arg11[%swap3A_392] {strides = array<i32>} : memref<512xf32, #tpu.memory_space<vmem>>, vector<16xf32>,
        tpu.vector_store %arg11[%swap3A_392], %sub3A_391 {strides = array<i32>} : memref<512xf32, #tpu.memory_space<vmem>>, vector<16xf32>,
        %gather3A_394 = tpu.vector_load_idx %arg7[%select_n3A_385] : memref<16384xf32, #tpu.memory_space<vmem>>[vector<16xi32>], vector<16xf32>,
        %sub3A_395 = arith.subf %gather3A_394, %gather3A_68 : vector<16xf32>
        %swap3A_396 = arith.constant 224 : index
        %swap3A_397 = tpu.vector_load %arg12[%swap3A_396] {strides = array<i32>} : memref<512xf32, #tpu.memory_space<vmem>>, vector<16xf32>,
        tpu.vector_store %arg12[%swap3A_396], %sub3A_395 {strides = array<i32>} : memref<512xf32, #tpu.memory_space<vmem>>, vector<16xf32>,
        %add3A_398 = arith.constant 240 : i32
        %add3A_399 = vector.broadcast %add3A_398 : i32 to vector<16xi32>
        %add3A_400 = arith.addi %add3A_399, %iota3A : vector<16xi32>
        %get3A_401 = arith.constant 240 : index
        %get3A_402 = tpu.vector_load %arg9[%get3A_401] {strides = array<i32>} : memref<16400xi32, #tpu.memory_space<vmem>>, vector<16xi32>,
        %lt3A_403 = arith.cmpi slt, %add3A_400, %broadcast_in_dim3A_74 : vector<16xi32>
        %select_n3A_404 = arith.select %lt3A_403, %get3A_402, %get3A_112 : vector<16xi1>, vector<16xi32>
        %gather3A_405 = tpu.vector_load_idx %arg5[%select_n3A_404] : memref<16384xf32, #tpu.memory_space<vmem>>[vector<16xi32>], vector<16xf32>,
        %sub3A_406 = arith.subf %gather3A_405, %gather3A : vector<16xf32>
        %swap3A_407 = arith.constant 240 : index
        %swap3A_408 = tpu.vector_load %arg10[%swap3A_407] {strides = array<i32>} : memref<512xf32, #tpu.memory_space<vmem>>, vector<16xf32>,
        tpu.vector_store %arg10[%swap3A_407], %sub3A_406 {strides = array<i32>} : memref<512xf32, #tpu.memory_space<vmem>>, vector<16xf32>,
        %gather3A_409 = tpu.vector_load_idx %arg6[%select_n3A_404] : memref<16384xf32, #tpu.memory_space<vmem>>[vector<16xi32>], vector<16xf32>,
        %sub3A_410 = arith.subf %gather3A_409, %gather3A_64 : vector<16xf32>
        %swap3A_411 = arith.constant 240 : index
        %swap3A_412 = tpu.vector_load %arg11[%swap3A_411] {strides = array<i32>} : memref<512xf32, #tpu.memory_space<vmem>>, vector<16xf32>,
        tpu.vector_store %arg11[%swap3A_411], %sub3A_410 {strides = array<i32>} : memref<512xf32, #tpu.memory_space<vmem>>, vector<16xf32>,
        %gather3A_413 = tpu.vector_load_idx %arg7[%select_n3A_404] : memref<16384xf32, #tpu.memory_space<vmem>>[vector<16xi32>], vector<16xf32>,
        %sub3A_414 = arith.subf %gather3A_413, %gather3A_68 : vector<16xf32>
        %swap3A_415 = arith.constant 240 : index
        %swap3A_416 = tpu.vector_load %arg12[%swap3A_415] {strides = array<i32>} : memref<512xf32, #tpu.memory_space<vmem>>, vector<16xf32>,
        tpu.vector_store %arg12[%swap3A_415], %sub3A_414 {strides = array<i32>} : memref<512xf32, #tpu.memory_space<vmem>>, vector<16xf32>,
        %add3A_417 = arith.constant 256 : i32
        %add3A_418 = vector.broadcast %add3A_417 : i32 to vector<16xi32>
        %add3A_419 = arith.addi %add3A_418, %iota3A : vector<16xi32>
        %get3A_420 = arith.constant 256 : index
        %get3A_421 = tpu.vector_load %arg9[%get3A_420] {strides = array<i32>} : memref<16400xi32, #tpu.memory_space<vmem>>, vector<16xi32>,
        %lt3A_422 = arith.cmpi slt, %add3A_419, %broadcast_in_dim3A_74 : vector<16xi32>
        %select_n3A_423 = arith.select %lt3A_422, %get3A_421, %get3A_112 : vector<16xi1>, vector<16xi32>
        %gather3A_424 = tpu.vector_load_idx %arg5[%select_n3A_423] : memref<16384xf32, #tpu.memory_space<vmem>>[vector<16xi32>], vector<16xf32>,
        %sub3A_425 = arith.subf %gather3A_424, %gather3A : vector<16xf32>
        %swap3A_426 = arith.constant 256 : index
        %swap3A_427 = tpu.vector_load %arg10[%swap3A_426] {strides = array<i32>} : memref<512xf32, #tpu.memory_space<vmem>>, vector<16xf32>,
        tpu.vector_store %arg10[%swap3A_426], %sub3A_425 {strides = array<i32>} : memref<512xf32, #tpu.memory_space<vmem>>, vector<16xf32>,
        %gather3A_428 = tpu.vector_load_idx %arg6[%select_n3A_423] : memref<16384xf32, #tpu.memory_space<vmem>>[vector<16xi32>], vector<16xf32>,
        %sub3A_429 = arith.subf %gather3A_428, %gather3A_64 : vector<16xf32>
        %swap3A_430 = arith.constant 256 : index
        %swap3A_431 = tpu.vector_load %arg11[%swap3A_430] {strides = array<i32>} : memref<512xf32, #tpu.memory_space<vmem>>, vector<16xf32>,
        tpu.vector_store %arg11[%swap3A_430], %sub3A_429 {strides = array<i32>} : memref<512xf32, #tpu.memory_space<vmem>>, vector<16xf32>,
        %gather3A_432 = tpu.vector_load_idx %arg7[%select_n3A_423] : memref<16384xf32, #tpu.memory_space<vmem>>[vector<16xi32>], vector<16xf32>,
        %sub3A_433 = arith.subf %gather3A_432, %gather3A_68 : vector<16xf32>
        %swap3A_434 = arith.constant 256 : index
        %swap3A_435 = tpu.vector_load %arg12[%swap3A_434] {strides = array<i32>} : memref<512xf32, #tpu.memory_space<vmem>>, vector<16xf32>,
        tpu.vector_store %arg12[%swap3A_434], %sub3A_433 {strides = array<i32>} : memref<512xf32, #tpu.memory_space<vmem>>, vector<16xf32>,
        %add3A_436 = arith.constant 272 : i32
        %add3A_437 = vector.broadcast %add3A_436 : i32 to vector<16xi32>
        %add3A_438 = arith.addi %add3A_437, %iota3A : vector<16xi32>
        %get3A_439 = arith.constant 272 : index
        %get3A_440 = tpu.vector_load %arg9[%get3A_439] {strides = array<i32>} : memref<16400xi32, #tpu.memory_space<vmem>>, vector<16xi32>,
        %lt3A_441 = arith.cmpi slt, %add3A_438, %broadcast_in_dim3A_74 : vector<16xi32>
        %select_n3A_442 = arith.select %lt3A_441, %get3A_440, %get3A_112 : vector<16xi1>, vector<16xi32>
        %gather3A_443 = tpu.vector_load_idx %arg5[%select_n3A_442] : memref<16384xf32, #tpu.memory_space<vmem>>[vector<16xi32>], vector<16xf32>,
        %sub3A_444 = arith.subf %gather3A_443, %gather3A : vector<16xf32>
        %swap3A_445 = arith.constant 272 : index
        %swap3A_446 = tpu.vector_load %arg10[%swap3A_445] {strides = array<i32>} : memref<512xf32, #tpu.memory_space<vmem>>, vector<16xf32>,
        tpu.vector_store %arg10[%swap3A_445], %sub3A_444 {strides = array<i32>} : memref<512xf32, #tpu.memory_space<vmem>>, vector<16xf32>,
        %gather3A_447 = tpu.vector_load_idx %arg6[%select_n3A_442] : memref<16384xf32, #tpu.memory_space<vmem>>[vector<16xi32>], vector<16xf32>,
        %sub3A_448 = arith.subf %gather3A_447, %gather3A_64 : vector<16xf32>
        %swap3A_449 = arith.constant 272 : index
        %swap3A_450 = tpu.vector_load %arg11[%swap3A_449] {strides = array<i32>} : memref<512xf32, #tpu.memory_space<vmem>>, vector<16xf32>,
        tpu.vector_store %arg11[%swap3A_449], %sub3A_448 {strides = array<i32>} : memref<512xf32, #tpu.memory_space<vmem>>, vector<16xf32>,
        %gather3A_451 = tpu.vector_load_idx %arg7[%select_n3A_442] : memref<16384xf32, #tpu.memory_space<vmem>>[vector<16xi32>], vector<16xf32>,
        %sub3A_452 = arith.subf %gather3A_451, %gather3A_68 : vector<16xf32>
        %swap3A_453 = arith.constant 272 : index
        %swap3A_454 = tpu.vector_load %arg12[%swap3A_453] {strides = array<i32>} : memref<512xf32, #tpu.memory_space<vmem>>, vector<16xf32>,
        tpu.vector_store %arg12[%swap3A_453], %sub3A_452 {strides = array<i32>} : memref<512xf32, #tpu.memory_space<vmem>>, vector<16xf32>,
        %add3A_455 = arith.constant 288 : i32
        %add3A_456 = vector.broadcast %add3A_455 : i32 to vector<16xi32>
        %add3A_457 = arith.addi %add3A_456, %iota3A : vector<16xi32>
        %get3A_458 = arith.constant 288 : index
        %get3A_459 = tpu.vector_load %arg9[%get3A_458] {strides = array<i32>} : memref<16400xi32, #tpu.memory_space<vmem>>, vector<16xi32>,
        %lt3A_460 = arith.cmpi slt, %add3A_457, %broadcast_in_dim3A_74 : vector<16xi32>
        %select_n3A_461 = arith.select %lt3A_460, %get3A_459, %get3A_112 : vector<16xi1>, vector<16xi32>
        %gather3A_462 = tpu.vector_load_idx %arg5[%select_n3A_461] : memref<16384xf32, #tpu.memory_space<vmem>>[vector<16xi32>], vector<16xf32>,
        %sub3A_463 = arith.subf %gather3A_462, %gather3A : vector<16xf32>
        %swap3A_464 = arith.constant 288 : index
        %swap3A_465 = tpu.vector_load %arg10[%swap3A_464] {strides = array<i32>} : memref<512xf32, #tpu.memory_space<vmem>>, vector<16xf32>,
        tpu.vector_store %arg10[%swap3A_464], %sub3A_463 {strides = array<i32>} : memref<512xf32, #tpu.memory_space<vmem>>, vector<16xf32>,
        %gather3A_466 = tpu.vector_load_idx %arg6[%select_n3A_461] : memref<16384xf32, #tpu.memory_space<vmem>>[vector<16xi32>], vector<16xf32>,
        %sub3A_467 = arith.subf %gather3A_466, %gather3A_64 : vector<16xf32>
        %swap3A_468 = arith.constant 288 : index
        %swap3A_469 = tpu.vector_load %arg11[%swap3A_468] {strides = array<i32>} : memref<512xf32, #tpu.memory_space<vmem>>, vector<16xf32>,
        tpu.vector_store %arg11[%swap3A_468], %sub3A_467 {strides = array<i32>} : memref<512xf32, #tpu.memory_space<vmem>>, vector<16xf32>,
        %gather3A_470 = tpu.vector_load_idx %arg7[%select_n3A_461] : memref<16384xf32, #tpu.memory_space<vmem>>[vector<16xi32>], vector<16xf32>,
        %sub3A_471 = arith.subf %gather3A_470, %gather3A_68 : vector<16xf32>
        %swap3A_472 = arith.constant 288 : index
        %swap3A_473 = tpu.vector_load %arg12[%swap3A_472] {strides = array<i32>} : memref<512xf32, #tpu.memory_space<vmem>>, vector<16xf32>,
        tpu.vector_store %arg12[%swap3A_472], %sub3A_471 {strides = array<i32>} : memref<512xf32, #tpu.memory_space<vmem>>, vector<16xf32>,
        %add3A_474 = arith.constant 304 : i32
        %add3A_475 = vector.broadcast %add3A_474 : i32 to vector<16xi32>
        %add3A_476 = arith.addi %add3A_475, %iota3A : vector<16xi32>
        %get3A_477 = arith.constant 304 : index
        %get3A_478 = tpu.vector_load %arg9[%get3A_477] {strides = array<i32>} : memref<16400xi32, #tpu.memory_space<vmem>>, vector<16xi32>,
        %lt3A_479 = arith.cmpi slt, %add3A_476, %broadcast_in_dim3A_74 : vector<16xi32>
        %select_n3A_480 = arith.select %lt3A_479, %get3A_478, %get3A_112 : vector<16xi1>, vector<16xi32>
        %gather3A_481 = tpu.vector_load_idx %arg5[%select_n3A_480] : memref<16384xf32, #tpu.memory_space<vmem>>[vector<16xi32>], vector<16xf32>,
        %sub3A_482 = arith.subf %gather3A_481, %gather3A : vector<16xf32>
        %swap3A_483 = arith.constant 304 : index
        %swap3A_484 = tpu.vector_load %arg10[%swap3A_483] {strides = array<i32>} : memref<512xf32, #tpu.memory_space<vmem>>, vector<16xf32>,
        tpu.vector_store %arg10[%swap3A_483], %sub3A_482 {strides = array<i32>} : memref<512xf32, #tpu.memory_space<vmem>>, vector<16xf32>,
        %gather3A_485 = tpu.vector_load_idx %arg6[%select_n3A_480] : memref<16384xf32, #tpu.memory_space<vmem>>[vector<16xi32>], vector<16xf32>,
        %sub3A_486 = arith.subf %gather3A_485, %gather3A_64 : vector<16xf32>
        %swap3A_487 = arith.constant 304 : index
        %swap3A_488 = tpu.vector_load %arg11[%swap3A_487] {strides = array<i32>} : memref<512xf32, #tpu.memory_space<vmem>>, vector<16xf32>,
        tpu.vector_store %arg11[%swap3A_487], %sub3A_486 {strides = array<i32>} : memref<512xf32, #tpu.memory_space<vmem>>, vector<16xf32>,
        %gather3A_489 = tpu.vector_load_idx %arg7[%select_n3A_480] : memref<16384xf32, #tpu.memory_space<vmem>>[vector<16xi32>], vector<16xf32>,
        %sub3A_490 = arith.subf %gather3A_489, %gather3A_68 : vector<16xf32>
        %swap3A_491 = arith.constant 304 : index
        %swap3A_492 = tpu.vector_load %arg12[%swap3A_491] {strides = array<i32>} : memref<512xf32, #tpu.memory_space<vmem>>, vector<16xf32>,
        tpu.vector_store %arg12[%swap3A_491], %sub3A_490 {strides = array<i32>} : memref<512xf32, #tpu.memory_space<vmem>>, vector<16xf32>,
        %add3A_493 = arith.constant 320 : i32
        %add3A_494 = vector.broadcast %add3A_493 : i32 to vector<16xi32>
        %add3A_495 = arith.addi %add3A_494, %iota3A : vector<16xi32>
        %get3A_496 = arith.constant 320 : index
        %get3A_497 = tpu.vector_load %arg9[%get3A_496] {strides = array<i32>} : memref<16400xi32, #tpu.memory_space<vmem>>, vector<16xi32>,
        %lt3A_498 = arith.cmpi slt, %add3A_495, %broadcast_in_dim3A_74 : vector<16xi32>
        %select_n3A_499 = arith.select %lt3A_498, %get3A_497, %get3A_112 : vector<16xi1>, vector<16xi32>
        %gather3A_500 = tpu.vector_load_idx %arg5[%select_n3A_499] : memref<16384xf32, #tpu.memory_space<vmem>>[vector<16xi32>], vector<16xf32>,
        %sub3A_501 = arith.subf %gather3A_500, %gather3A : vector<16xf32>
        %swap3A_502 = arith.constant 320 : index
        %swap3A_503 = tpu.vector_load %arg10[%swap3A_502] {strides = array<i32>} : memref<512xf32, #tpu.memory_space<vmem>>, vector<16xf32>,
        tpu.vector_store %arg10[%swap3A_502], %sub3A_501 {strides = array<i32>} : memref<512xf32, #tpu.memory_space<vmem>>, vector<16xf32>,
        %gather3A_504 = tpu.vector_load_idx %arg6[%select_n3A_499] : memref<16384xf32, #tpu.memory_space<vmem>>[vector<16xi32>], vector<16xf32>,
        %sub3A_505 = arith.subf %gather3A_504, %gather3A_64 : vector<16xf32>
        %swap3A_506 = arith.constant 320 : index
        %swap3A_507 = tpu.vector_load %arg11[%swap3A_506] {strides = array<i32>} : memref<512xf32, #tpu.memory_space<vmem>>, vector<16xf32>,
        tpu.vector_store %arg11[%swap3A_506], %sub3A_505 {strides = array<i32>} : memref<512xf32, #tpu.memory_space<vmem>>, vector<16xf32>,
        %gather3A_508 = tpu.vector_load_idx %arg7[%select_n3A_499] : memref<16384xf32, #tpu.memory_space<vmem>>[vector<16xi32>], vector<16xf32>,
        %sub3A_509 = arith.subf %gather3A_508, %gather3A_68 : vector<16xf32>
        %swap3A_510 = arith.constant 320 : index
        %swap3A_511 = tpu.vector_load %arg12[%swap3A_510] {strides = array<i32>} : memref<512xf32, #tpu.memory_space<vmem>>, vector<16xf32>,
        tpu.vector_store %arg12[%swap3A_510], %sub3A_509 {strides = array<i32>} : memref<512xf32, #tpu.memory_space<vmem>>, vector<16xf32>,
        %add3A_512 = arith.constant 336 : i32
        %add3A_513 = vector.broadcast %add3A_512 : i32 to vector<16xi32>
        %add3A_514 = arith.addi %add3A_513, %iota3A : vector<16xi32>
        %get3A_515 = arith.constant 336 : index
        %get3A_516 = tpu.vector_load %arg9[%get3A_515] {strides = array<i32>} : memref<16400xi32, #tpu.memory_space<vmem>>, vector<16xi32>,
        %lt3A_517 = arith.cmpi slt, %add3A_514, %broadcast_in_dim3A_74 : vector<16xi32>
        %select_n3A_518 = arith.select %lt3A_517, %get3A_516, %get3A_112 : vector<16xi1>, vector<16xi32>
        %gather3A_519 = tpu.vector_load_idx %arg5[%select_n3A_518] : memref<16384xf32, #tpu.memory_space<vmem>>[vector<16xi32>], vector<16xf32>,
        %sub3A_520 = arith.subf %gather3A_519, %gather3A : vector<16xf32>
        %swap3A_521 = arith.constant 336 : index
        %swap3A_522 = tpu.vector_load %arg10[%swap3A_521] {strides = array<i32>} : memref<512xf32, #tpu.memory_space<vmem>>, vector<16xf32>,
        tpu.vector_store %arg10[%swap3A_521], %sub3A_520 {strides = array<i32>} : memref<512xf32, #tpu.memory_space<vmem>>, vector<16xf32>,
        %gather3A_523 = tpu.vector_load_idx %arg6[%select_n3A_518] : memref<16384xf32, #tpu.memory_space<vmem>>[vector<16xi32>], vector<16xf32>,
        %sub3A_524 = arith.subf %gather3A_523, %gather3A_64 : vector<16xf32>
        %swap3A_525 = arith.constant 336 : index
        %swap3A_526 = tpu.vector_load %arg11[%swap3A_525] {strides = array<i32>} : memref<512xf32, #tpu.memory_space<vmem>>, vector<16xf32>,
        tpu.vector_store %arg11[%swap3A_525], %sub3A_524 {strides = array<i32>} : memref<512xf32, #tpu.memory_space<vmem>>, vector<16xf32>,
        %gather3A_527 = tpu.vector_load_idx %arg7[%select_n3A_518] : memref<16384xf32, #tpu.memory_space<vmem>>[vector<16xi32>], vector<16xf32>,
        %sub3A_528 = arith.subf %gather3A_527, %gather3A_68 : vector<16xf32>
        %swap3A_529 = arith.constant 336 : index
        %swap3A_530 = tpu.vector_load %arg12[%swap3A_529] {strides = array<i32>} : memref<512xf32, #tpu.memory_space<vmem>>, vector<16xf32>,
        tpu.vector_store %arg12[%swap3A_529], %sub3A_528 {strides = array<i32>} : memref<512xf32, #tpu.memory_space<vmem>>, vector<16xf32>,
        %add3A_531 = arith.constant 352 : i32
        %add3A_532 = vector.broadcast %add3A_531 : i32 to vector<16xi32>
        %add3A_533 = arith.addi %add3A_532, %iota3A : vector<16xi32>
        %get3A_534 = arith.constant 352 : index
        %get3A_535 = tpu.vector_load %arg9[%get3A_534] {strides = array<i32>} : memref<16400xi32, #tpu.memory_space<vmem>>, vector<16xi32>,
        %lt3A_536 = arith.cmpi slt, %add3A_533, %broadcast_in_dim3A_74 : vector<16xi32>
        %select_n3A_537 = arith.select %lt3A_536, %get3A_535, %get3A_112 : vector<16xi1>, vector<16xi32>
        %gather3A_538 = tpu.vector_load_idx %arg5[%select_n3A_537] : memref<16384xf32, #tpu.memory_space<vmem>>[vector<16xi32>], vector<16xf32>,
        %sub3A_539 = arith.subf %gather3A_538, %gather3A : vector<16xf32>
        %swap3A_540 = arith.constant 352 : index
        %swap3A_541 = tpu.vector_load %arg10[%swap3A_540] {strides = array<i32>} : memref<512xf32, #tpu.memory_space<vmem>>, vector<16xf32>,
        tpu.vector_store %arg10[%swap3A_540], %sub3A_539 {strides = array<i32>} : memref<512xf32, #tpu.memory_space<vmem>>, vector<16xf32>,
        %gather3A_542 = tpu.vector_load_idx %arg6[%select_n3A_537] : memref<16384xf32, #tpu.memory_space<vmem>>[vector<16xi32>], vector<16xf32>,
        %sub3A_543 = arith.subf %gather3A_542, %gather3A_64 : vector<16xf32>
        %swap3A_544 = arith.constant 352 : index
        %swap3A_545 = tpu.vector_load %arg11[%swap3A_544] {strides = array<i32>} : memref<512xf32, #tpu.memory_space<vmem>>, vector<16xf32>,
        tpu.vector_store %arg11[%swap3A_544], %sub3A_543 {strides = array<i32>} : memref<512xf32, #tpu.memory_space<vmem>>, vector<16xf32>,
        %gather3A_546 = tpu.vector_load_idx %arg7[%select_n3A_537] : memref<16384xf32, #tpu.memory_space<vmem>>[vector<16xi32>], vector<16xf32>,
        %sub3A_547 = arith.subf %gather3A_546, %gather3A_68 : vector<16xf32>
        %swap3A_548 = arith.constant 352 : index
        %swap3A_549 = tpu.vector_load %arg12[%swap3A_548] {strides = array<i32>} : memref<512xf32, #tpu.memory_space<vmem>>, vector<16xf32>,
        tpu.vector_store %arg12[%swap3A_548], %sub3A_547 {strides = array<i32>} : memref<512xf32, #tpu.memory_space<vmem>>, vector<16xf32>,
        %add3A_550 = arith.constant 368 : i32
        %add3A_551 = vector.broadcast %add3A_550 : i32 to vector<16xi32>
        %add3A_552 = arith.addi %add3A_551, %iota3A : vector<16xi32>
        %get3A_553 = arith.constant 368 : index
        %get3A_554 = tpu.vector_load %arg9[%get3A_553] {strides = array<i32>} : memref<16400xi32, #tpu.memory_space<vmem>>, vector<16xi32>,
        %lt3A_555 = arith.cmpi slt, %add3A_552, %broadcast_in_dim3A_74 : vector<16xi32>
        %select_n3A_556 = arith.select %lt3A_555, %get3A_554, %get3A_112 : vector<16xi1>, vector<16xi32>
        %gather3A_557 = tpu.vector_load_idx %arg5[%select_n3A_556] : memref<16384xf32, #tpu.memory_space<vmem>>[vector<16xi32>], vector<16xf32>,
        %sub3A_558 = arith.subf %gather3A_557, %gather3A : vector<16xf32>
        %swap3A_559 = arith.constant 368 : index
        %swap3A_560 = tpu.vector_load %arg10[%swap3A_559] {strides = array<i32>} : memref<512xf32, #tpu.memory_space<vmem>>, vector<16xf32>,
        tpu.vector_store %arg10[%swap3A_559], %sub3A_558 {strides = array<i32>} : memref<512xf32, #tpu.memory_space<vmem>>, vector<16xf32>,
        %gather3A_561 = tpu.vector_load_idx %arg6[%select_n3A_556] : memref<16384xf32, #tpu.memory_space<vmem>>[vector<16xi32>], vector<16xf32>,
        %sub3A_562 = arith.subf %gather3A_561, %gather3A_64 : vector<16xf32>
        %swap3A_563 = arith.constant 368 : index
        %swap3A_564 = tpu.vector_load %arg11[%swap3A_563] {strides = array<i32>} : memref<512xf32, #tpu.memory_space<vmem>>, vector<16xf32>,
        tpu.vector_store %arg11[%swap3A_563], %sub3A_562 {strides = array<i32>} : memref<512xf32, #tpu.memory_space<vmem>>, vector<16xf32>,
        %gather3A_565 = tpu.vector_load_idx %arg7[%select_n3A_556] : memref<16384xf32, #tpu.memory_space<vmem>>[vector<16xi32>], vector<16xf32>,
        %sub3A_566 = arith.subf %gather3A_565, %gather3A_68 : vector<16xf32>
        %swap3A_567 = arith.constant 368 : index
        %swap3A_568 = tpu.vector_load %arg12[%swap3A_567] {strides = array<i32>} : memref<512xf32, #tpu.memory_space<vmem>>, vector<16xf32>,
        tpu.vector_store %arg12[%swap3A_567], %sub3A_566 {strides = array<i32>} : memref<512xf32, #tpu.memory_space<vmem>>, vector<16xf32>,
        %add3A_569 = arith.constant 384 : i32
        %add3A_570 = vector.broadcast %add3A_569 : i32 to vector<16xi32>
        %add3A_571 = arith.addi %add3A_570, %iota3A : vector<16xi32>
        %get3A_572 = arith.constant 384 : index
        %get3A_573 = tpu.vector_load %arg9[%get3A_572] {strides = array<i32>} : memref<16400xi32, #tpu.memory_space<vmem>>, vector<16xi32>,
        %lt3A_574 = arith.cmpi slt, %add3A_571, %broadcast_in_dim3A_74 : vector<16xi32>
        %select_n3A_575 = arith.select %lt3A_574, %get3A_573, %get3A_112 : vector<16xi1>, vector<16xi32>
        %gather3A_576 = tpu.vector_load_idx %arg5[%select_n3A_575] : memref<16384xf32, #tpu.memory_space<vmem>>[vector<16xi32>], vector<16xf32>,
        %sub3A_577 = arith.subf %gather3A_576, %gather3A : vector<16xf32>
        %swap3A_578 = arith.constant 384 : index
        %swap3A_579 = tpu.vector_load %arg10[%swap3A_578] {strides = array<i32>} : memref<512xf32, #tpu.memory_space<vmem>>, vector<16xf32>,
        tpu.vector_store %arg10[%swap3A_578], %sub3A_577 {strides = array<i32>} : memref<512xf32, #tpu.memory_space<vmem>>, vector<16xf32>,
        %gather3A_580 = tpu.vector_load_idx %arg6[%select_n3A_575] : memref<16384xf32, #tpu.memory_space<vmem>>[vector<16xi32>], vector<16xf32>,
        %sub3A_581 = arith.subf %gather3A_580, %gather3A_64 : vector<16xf32>
        %swap3A_582 = arith.constant 384 : index
        %swap3A_583 = tpu.vector_load %arg11[%swap3A_582] {strides = array<i32>} : memref<512xf32, #tpu.memory_space<vmem>>, vector<16xf32>,
        tpu.vector_store %arg11[%swap3A_582], %sub3A_581 {strides = array<i32>} : memref<512xf32, #tpu.memory_space<vmem>>, vector<16xf32>,
        %gather3A_584 = tpu.vector_load_idx %arg7[%select_n3A_575] : memref<16384xf32, #tpu.memory_space<vmem>>[vector<16xi32>], vector<16xf32>,
        %sub3A_585 = arith.subf %gather3A_584, %gather3A_68 : vector<16xf32>
        %swap3A_586 = arith.constant 384 : index
        %swap3A_587 = tpu.vector_load %arg12[%swap3A_586] {strides = array<i32>} : memref<512xf32, #tpu.memory_space<vmem>>, vector<16xf32>,
        tpu.vector_store %arg12[%swap3A_586], %sub3A_585 {strides = array<i32>} : memref<512xf32, #tpu.memory_space<vmem>>, vector<16xf32>,
        %add3A_588 = arith.constant 400 : i32
        %add3A_589 = vector.broadcast %add3A_588 : i32 to vector<16xi32>
        %add3A_590 = arith.addi %add3A_589, %iota3A : vector<16xi32>
        %get3A_591 = arith.constant 400 : index
        %get3A_592 = tpu.vector_load %arg9[%get3A_591] {strides = array<i32>} : memref<16400xi32, #tpu.memory_space<vmem>>, vector<16xi32>,
        %lt3A_593 = arith.cmpi slt, %add3A_590, %broadcast_in_dim3A_74 : vector<16xi32>
        %select_n3A_594 = arith.select %lt3A_593, %get3A_592, %get3A_112 : vector<16xi1>, vector<16xi32>
        %gather3A_595 = tpu.vector_load_idx %arg5[%select_n3A_594] : memref<16384xf32, #tpu.memory_space<vmem>>[vector<16xi32>], vector<16xf32>,
        %sub3A_596 = arith.subf %gather3A_595, %gather3A : vector<16xf32>
        %swap3A_597 = arith.constant 400 : index
        %swap3A_598 = tpu.vector_load %arg10[%swap3A_597] {strides = array<i32>} : memref<512xf32, #tpu.memory_space<vmem>>, vector<16xf32>,
        tpu.vector_store %arg10[%swap3A_597], %sub3A_596 {strides = array<i32>} : memref<512xf32, #tpu.memory_space<vmem>>, vector<16xf32>,
        %gather3A_599 = tpu.vector_load_idx %arg6[%select_n3A_594] : memref<16384xf32, #tpu.memory_space<vmem>>[vector<16xi32>], vector<16xf32>,
        %sub3A_600 = arith.subf %gather3A_599, %gather3A_64 : vector<16xf32>
        %swap3A_601 = arith.constant 400 : index
        %swap3A_602 = tpu.vector_load %arg11[%swap3A_601] {strides = array<i32>} : memref<512xf32, #tpu.memory_space<vmem>>, vector<16xf32>,
        tpu.vector_store %arg11[%swap3A_601], %sub3A_600 {strides = array<i32>} : memref<512xf32, #tpu.memory_space<vmem>>, vector<16xf32>,
        %gather3A_603 = tpu.vector_load_idx %arg7[%select_n3A_594] : memref<16384xf32, #tpu.memory_space<vmem>>[vector<16xi32>], vector<16xf32>,
        %sub3A_604 = arith.subf %gather3A_603, %gather3A_68 : vector<16xf32>
        %swap3A_605 = arith.constant 400 : index
        %swap3A_606 = tpu.vector_load %arg12[%swap3A_605] {strides = array<i32>} : memref<512xf32, #tpu.memory_space<vmem>>, vector<16xf32>,
        tpu.vector_store %arg12[%swap3A_605], %sub3A_604 {strides = array<i32>} : memref<512xf32, #tpu.memory_space<vmem>>, vector<16xf32>,
        %add3A_607 = arith.constant 416 : i32
        %add3A_608 = vector.broadcast %add3A_607 : i32 to vector<16xi32>
        %add3A_609 = arith.addi %add3A_608, %iota3A : vector<16xi32>
        %get3A_610 = arith.constant 416 : index
        %get3A_611 = tpu.vector_load %arg9[%get3A_610] {strides = array<i32>} : memref<16400xi32, #tpu.memory_space<vmem>>, vector<16xi32>,
        %lt3A_612 = arith.cmpi slt, %add3A_609, %broadcast_in_dim3A_74 : vector<16xi32>
        %select_n3A_613 = arith.select %lt3A_612, %get3A_611, %get3A_112 : vector<16xi1>, vector<16xi32>
        %gather3A_614 = tpu.vector_load_idx %arg5[%select_n3A_613] : memref<16384xf32, #tpu.memory_space<vmem>>[vector<16xi32>], vector<16xf32>,
        %sub3A_615 = arith.subf %gather3A_614, %gather3A : vector<16xf32>
        %swap3A_616 = arith.constant 416 : index
        %swap3A_617 = tpu.vector_load %arg10[%swap3A_616] {strides = array<i32>} : memref<512xf32, #tpu.memory_space<vmem>>, vector<16xf32>,
        tpu.vector_store %arg10[%swap3A_616], %sub3A_615 {strides = array<i32>} : memref<512xf32, #tpu.memory_space<vmem>>, vector<16xf32>,
        %gather3A_618 = tpu.vector_load_idx %arg6[%select_n3A_613] : memref<16384xf32, #tpu.memory_space<vmem>>[vector<16xi32>], vector<16xf32>,
        %sub3A_619 = arith.subf %gather3A_618, %gather3A_64 : vector<16xf32>
        %swap3A_620 = arith.constant 416 : index
        %swap3A_621 = tpu.vector_load %arg11[%swap3A_620] {strides = array<i32>} : memref<512xf32, #tpu.memory_space<vmem>>, vector<16xf32>,
        tpu.vector_store %arg11[%swap3A_620], %sub3A_619 {strides = array<i32>} : memref<512xf32, #tpu.memory_space<vmem>>, vector<16xf32>,
        %gather3A_622 = tpu.vector_load_idx %arg7[%select_n3A_613] : memref<16384xf32, #tpu.memory_space<vmem>>[vector<16xi32>], vector<16xf32>,
        %sub3A_623 = arith.subf %gather3A_622, %gather3A_68 : vector<16xf32>
        %swap3A_624 = arith.constant 416 : index
        %swap3A_625 = tpu.vector_load %arg12[%swap3A_624] {strides = array<i32>} : memref<512xf32, #tpu.memory_space<vmem>>, vector<16xf32>,
        tpu.vector_store %arg12[%swap3A_624], %sub3A_623 {strides = array<i32>} : memref<512xf32, #tpu.memory_space<vmem>>, vector<16xf32>,
        %add3A_626 = arith.constant 432 : i32
        %add3A_627 = vector.broadcast %add3A_626 : i32 to vector<16xi32>
        %add3A_628 = arith.addi %add3A_627, %iota3A : vector<16xi32>
        %get3A_629 = arith.constant 432 : index
        %get3A_630 = tpu.vector_load %arg9[%get3A_629] {strides = array<i32>} : memref<16400xi32, #tpu.memory_space<vmem>>, vector<16xi32>,
        %lt3A_631 = arith.cmpi slt, %add3A_628, %broadcast_in_dim3A_74 : vector<16xi32>
        %select_n3A_632 = arith.select %lt3A_631, %get3A_630, %get3A_112 : vector<16xi1>, vector<16xi32>
        %gather3A_633 = tpu.vector_load_idx %arg5[%select_n3A_632] : memref<16384xf32, #tpu.memory_space<vmem>>[vector<16xi32>], vector<16xf32>,
        %sub3A_634 = arith.subf %gather3A_633, %gather3A : vector<16xf32>
        %swap3A_635 = arith.constant 432 : index
        %swap3A_636 = tpu.vector_load %arg10[%swap3A_635] {strides = array<i32>} : memref<512xf32, #tpu.memory_space<vmem>>, vector<16xf32>,
        tpu.vector_store %arg10[%swap3A_635], %sub3A_634 {strides = array<i32>} : memref<512xf32, #tpu.memory_space<vmem>>, vector<16xf32>,
        %gather3A_637 = tpu.vector_load_idx %arg6[%select_n3A_632] : memref<16384xf32, #tpu.memory_space<vmem>>[vector<16xi32>], vector<16xf32>,
        %sub3A_638 = arith.subf %gather3A_637, %gather3A_64 : vector<16xf32>
        %swap3A_639 = arith.constant 432 : index
        %swap3A_640 = tpu.vector_load %arg11[%swap3A_639] {strides = array<i32>} : memref<512xf32, #tpu.memory_space<vmem>>, vector<16xf32>,
        tpu.vector_store %arg11[%swap3A_639], %sub3A_638 {strides = array<i32>} : memref<512xf32, #tpu.memory_space<vmem>>, vector<16xf32>,
        %gather3A_641 = tpu.vector_load_idx %arg7[%select_n3A_632] : memref<16384xf32, #tpu.memory_space<vmem>>[vector<16xi32>], vector<16xf32>,
        %sub3A_642 = arith.subf %gather3A_641, %gather3A_68 : vector<16xf32>
        %swap3A_643 = arith.constant 432 : index
        %swap3A_644 = tpu.vector_load %arg12[%swap3A_643] {strides = array<i32>} : memref<512xf32, #tpu.memory_space<vmem>>, vector<16xf32>,
        tpu.vector_store %arg12[%swap3A_643], %sub3A_642 {strides = array<i32>} : memref<512xf32, #tpu.memory_space<vmem>>, vector<16xf32>,
        %add3A_645 = arith.constant 448 : i32
        %add3A_646 = vector.broadcast %add3A_645 : i32 to vector<16xi32>
        %add3A_647 = arith.addi %add3A_646, %iota3A : vector<16xi32>
        %get3A_648 = arith.constant 448 : index
        %get3A_649 = tpu.vector_load %arg9[%get3A_648] {strides = array<i32>} : memref<16400xi32, #tpu.memory_space<vmem>>, vector<16xi32>,
        %lt3A_650 = arith.cmpi slt, %add3A_647, %broadcast_in_dim3A_74 : vector<16xi32>
        %select_n3A_651 = arith.select %lt3A_650, %get3A_649, %get3A_112 : vector<16xi1>, vector<16xi32>
        %gather3A_652 = tpu.vector_load_idx %arg5[%select_n3A_651] : memref<16384xf32, #tpu.memory_space<vmem>>[vector<16xi32>], vector<16xf32>,
        %sub3A_653 = arith.subf %gather3A_652, %gather3A : vector<16xf32>
        %swap3A_654 = arith.constant 448 : index
        %swap3A_655 = tpu.vector_load %arg10[%swap3A_654] {strides = array<i32>} : memref<512xf32, #tpu.memory_space<vmem>>, vector<16xf32>,
        tpu.vector_store %arg10[%swap3A_654], %sub3A_653 {strides = array<i32>} : memref<512xf32, #tpu.memory_space<vmem>>, vector<16xf32>,
        %gather3A_656 = tpu.vector_load_idx %arg6[%select_n3A_651] : memref<16384xf32, #tpu.memory_space<vmem>>[vector<16xi32>], vector<16xf32>,
        %sub3A_657 = arith.subf %gather3A_656, %gather3A_64 : vector<16xf32>
        %swap3A_658 = arith.constant 448 : index
        %swap3A_659 = tpu.vector_load %arg11[%swap3A_658] {strides = array<i32>} : memref<512xf32, #tpu.memory_space<vmem>>, vector<16xf32>,
        tpu.vector_store %arg11[%swap3A_658], %sub3A_657 {strides = array<i32>} : memref<512xf32, #tpu.memory_space<vmem>>, vector<16xf32>,
        %gather3A_660 = tpu.vector_load_idx %arg7[%select_n3A_651] : memref<16384xf32, #tpu.memory_space<vmem>>[vector<16xi32>], vector<16xf32>,
        %sub3A_661 = arith.subf %gather3A_660, %gather3A_68 : vector<16xf32>
        %swap3A_662 = arith.constant 448 : index
        %swap3A_663 = tpu.vector_load %arg12[%swap3A_662] {strides = array<i32>} : memref<512xf32, #tpu.memory_space<vmem>>, vector<16xf32>,
        tpu.vector_store %arg12[%swap3A_662], %sub3A_661 {strides = array<i32>} : memref<512xf32, #tpu.memory_space<vmem>>, vector<16xf32>,
        %add3A_664 = arith.constant 464 : i32
        %add3A_665 = vector.broadcast %add3A_664 : i32 to vector<16xi32>
        %add3A_666 = arith.addi %add3A_665, %iota3A : vector<16xi32>
        %get3A_667 = arith.constant 464 : index
        %get3A_668 = tpu.vector_load %arg9[%get3A_667] {strides = array<i32>} : memref<16400xi32, #tpu.memory_space<vmem>>, vector<16xi32>,
        %lt3A_669 = arith.cmpi slt, %add3A_666, %broadcast_in_dim3A_74 : vector<16xi32>
        %select_n3A_670 = arith.select %lt3A_669, %get3A_668, %get3A_112 : vector<16xi1>, vector<16xi32>
        %gather3A_671 = tpu.vector_load_idx %arg5[%select_n3A_670] : memref<16384xf32, #tpu.memory_space<vmem>>[vector<16xi32>], vector<16xf32>,
        %sub3A_672 = arith.subf %gather3A_671, %gather3A : vector<16xf32>
        %swap3A_673 = arith.constant 464 : index
        %swap3A_674 = tpu.vector_load %arg10[%swap3A_673] {strides = array<i32>} : memref<512xf32, #tpu.memory_space<vmem>>, vector<16xf32>,
        tpu.vector_store %arg10[%swap3A_673], %sub3A_672 {strides = array<i32>} : memref<512xf32, #tpu.memory_space<vmem>>, vector<16xf32>,
        %gather3A_675 = tpu.vector_load_idx %arg6[%select_n3A_670] : memref<16384xf32, #tpu.memory_space<vmem>>[vector<16xi32>], vector<16xf32>,
        %sub3A_676 = arith.subf %gather3A_675, %gather3A_64 : vector<16xf32>
        %swap3A_677 = arith.constant 464 : index
        %swap3A_678 = tpu.vector_load %arg11[%swap3A_677] {strides = array<i32>} : memref<512xf32, #tpu.memory_space<vmem>>, vector<16xf32>,
        tpu.vector_store %arg11[%swap3A_677], %sub3A_676 {strides = array<i32>} : memref<512xf32, #tpu.memory_space<vmem>>, vector<16xf32>,
        %gather3A_679 = tpu.vector_load_idx %arg7[%select_n3A_670] : memref<16384xf32, #tpu.memory_space<vmem>>[vector<16xi32>], vector<16xf32>,
        %sub3A_680 = arith.subf %gather3A_679, %gather3A_68 : vector<16xf32>
        %swap3A_681 = arith.constant 464 : index
        %swap3A_682 = tpu.vector_load %arg12[%swap3A_681] {strides = array<i32>} : memref<512xf32, #tpu.memory_space<vmem>>, vector<16xf32>,
        tpu.vector_store %arg12[%swap3A_681], %sub3A_680 {strides = array<i32>} : memref<512xf32, #tpu.memory_space<vmem>>, vector<16xf32>,
        %add3A_683 = arith.constant 480 : i32
        %add3A_684 = vector.broadcast %add3A_683 : i32 to vector<16xi32>
        %add3A_685 = arith.addi %add3A_684, %iota3A : vector<16xi32>
        %get3A_686 = arith.constant 480 : index
        %get3A_687 = tpu.vector_load %arg9[%get3A_686] {strides = array<i32>} : memref<16400xi32, #tpu.memory_space<vmem>>, vector<16xi32>,
        %lt3A_688 = arith.cmpi slt, %add3A_685, %broadcast_in_dim3A_74 : vector<16xi32>
        %select_n3A_689 = arith.select %lt3A_688, %get3A_687, %get3A_112 : vector<16xi1>, vector<16xi32>
        %gather3A_690 = tpu.vector_load_idx %arg5[%select_n3A_689] : memref<16384xf32, #tpu.memory_space<vmem>>[vector<16xi32>], vector<16xf32>,
        %sub3A_691 = arith.subf %gather3A_690, %gather3A : vector<16xf32>
        %swap3A_692 = arith.constant 480 : index
        %swap3A_693 = tpu.vector_load %arg10[%swap3A_692] {strides = array<i32>} : memref<512xf32, #tpu.memory_space<vmem>>, vector<16xf32>,
        tpu.vector_store %arg10[%swap3A_692], %sub3A_691 {strides = array<i32>} : memref<512xf32, #tpu.memory_space<vmem>>, vector<16xf32>,
        %gather3A_694 = tpu.vector_load_idx %arg6[%select_n3A_689] : memref<16384xf32, #tpu.memory_space<vmem>>[vector<16xi32>], vector<16xf32>,
        %sub3A_695 = arith.subf %gather3A_694, %gather3A_64 : vector<16xf32>
        %swap3A_696 = arith.constant 480 : index
        %swap3A_697 = tpu.vector_load %arg11[%swap3A_696] {strides = array<i32>} : memref<512xf32, #tpu.memory_space<vmem>>, vector<16xf32>,
        tpu.vector_store %arg11[%swap3A_696], %sub3A_695 {strides = array<i32>} : memref<512xf32, #tpu.memory_space<vmem>>, vector<16xf32>,
        %gather3A_698 = tpu.vector_load_idx %arg7[%select_n3A_689] : memref<16384xf32, #tpu.memory_space<vmem>>[vector<16xi32>], vector<16xf32>,
        %sub3A_699 = arith.subf %gather3A_698, %gather3A_68 : vector<16xf32>
        %swap3A_700 = arith.constant 480 : index
        %swap3A_701 = tpu.vector_load %arg12[%swap3A_700] {strides = array<i32>} : memref<512xf32, #tpu.memory_space<vmem>>, vector<16xf32>,
        tpu.vector_store %arg12[%swap3A_700], %sub3A_699 {strides = array<i32>} : memref<512xf32, #tpu.memory_space<vmem>>, vector<16xf32>,
        %add3A_702 = arith.constant 496 : i32
        %add3A_703 = vector.broadcast %add3A_702 : i32 to vector<16xi32>
        %add3A_704 = arith.addi %add3A_703, %iota3A : vector<16xi32>
        %get3A_705 = arith.constant 496 : index
        %get3A_706 = tpu.vector_load %arg9[%get3A_705] {strides = array<i32>} : memref<16400xi32, #tpu.memory_space<vmem>>, vector<16xi32>,
        %lt3A_707 = arith.cmpi slt, %add3A_704, %broadcast_in_dim3A_74 : vector<16xi32>
        %select_n3A_708 = arith.select %lt3A_707, %get3A_706, %get3A_112 : vector<16xi1>, vector<16xi32>
        %gather3A_709 = tpu.vector_load_idx %arg5[%select_n3A_708] : memref<16384xf32, #tpu.memory_space<vmem>>[vector<16xi32>], vector<16xf32>,
        %sub3A_710 = arith.subf %gather3A_709, %gather3A : vector<16xf32>
        %swap3A_711 = arith.constant 496 : index
        %swap3A_712 = tpu.vector_load %arg10[%swap3A_711] {strides = array<i32>} : memref<512xf32, #tpu.memory_space<vmem>>, vector<16xf32>,
        tpu.vector_store %arg10[%swap3A_711], %sub3A_710 {strides = array<i32>} : memref<512xf32, #tpu.memory_space<vmem>>, vector<16xf32>,
        %gather3A_713 = tpu.vector_load_idx %arg6[%select_n3A_708] : memref<16384xf32, #tpu.memory_space<vmem>>[vector<16xi32>], vector<16xf32>,
        %sub3A_714 = arith.subf %gather3A_713, %gather3A_64 : vector<16xf32>
        %swap3A_715 = arith.constant 496 : index
        %swap3A_716 = tpu.vector_load %arg11[%swap3A_715] {strides = array<i32>} : memref<512xf32, #tpu.memory_space<vmem>>, vector<16xf32>,
        tpu.vector_store %arg11[%swap3A_715], %sub3A_714 {strides = array<i32>} : memref<512xf32, #tpu.memory_space<vmem>>, vector<16xf32>,
        %gather3A_717 = tpu.vector_load_idx %arg7[%select_n3A_708] : memref<16384xf32, #tpu.memory_space<vmem>>[vector<16xi32>], vector<16xf32>,
        %sub3A_718 = arith.subf %gather3A_717, %gather3A_68 : vector<16xf32>
        %swap3A_719 = arith.constant 496 : index
        %swap3A_720 = tpu.vector_load %arg12[%swap3A_719] {strides = array<i32>} : memref<512xf32, #tpu.memory_space<vmem>>, vector<16xf32>,
        tpu.vector_store %arg12[%swap3A_719], %sub3A_718 {strides = array<i32>} : memref<512xf32, #tpu.memory_space<vmem>>, vector<16xf32>,
        %mul3A_721 = arith.constant 27 : i32
        %mul3A_722 = arith.muli %select_n3A, %mul3A_721 : i32
        %add3A_723 = arith.addi %mul3A_722, %add3A_56 : i32
        %mul3A_724 = arith.constant 512 : i32
        %mul3A_725 = arith.muli %add3A_723, %mul3A_724 : i32
        "tpu.region"() ({
          %run_scoped3A = tpu.sem_alloc : memref<!tpu.dma_semaphore, #tpu.memory_space<semaphore_mem>>
          %dma_start3A = tpu.memref_slice %arg4[%mul3A_725] : memref<331776xf32, #tpu.memory_space<hbm>> -> memref<512xf32, #tpu.memory_space<hbm>>
          %dma_start3A_734 = tpu.memref_slice %arg4[%mul3A_725] : memref<331776xf32, #tpu.memory_space<hbm>> -> memref<512xf32, #tpu.memory_space<hbm>>
          tpu.enqueue_dma source(%arg10 : memref<512xf32, #tpu.memory_space<vmem>>) target(%dma_start3A_734 : memref<512xf32, #tpu.memory_space<hbm>>) target_semaphore(%run_scoped3A : memref<!tpu.dma_semaphore, #tpu.memory_space<semaphore_mem>>)
          %dma_wait3A = tpu.memref_slice %arg4[%mul3A_725] : memref<331776xf32, #tpu.memory_space<hbm>> -> memref<512xf32, #tpu.memory_space<hbm>>
          %dma_wait3A_735 = tpu.memref_slice %arg4[%mul3A_725] : memref<331776xf32, #tpu.memory_space<hbm>> -> memref<512xf32, #tpu.memory_space<hbm>>
          tpu.wait_dma2 semaphore(%run_scoped3A : memref<!tpu.dma_semaphore, #tpu.memory_space<semaphore_mem>>) src(%arg10 : memref<512xf32, #tpu.memory_space<vmem>>) dst(%dma_wait3A_735 : memref<512xf32, #tpu.memory_space<hbm>>)
          tpu.yield
        }) : () -> ()
        %add3A_726 = arith.constant 216 : i32
        %add3A_727 = arith.addi %add3A_726, %add3A_723 : i32
        %mul3A_728 = arith.constant 512 : i32
        %mul3A_729 = arith.muli %add3A_727, %mul3A_728 : i32
        "tpu.region"() ({
          %run_scoped3A = tpu.sem_alloc : memref<!tpu.dma_semaphore, #tpu.memory_space<semaphore_mem>>
          %dma_start3A = tpu.memref_slice %arg4[%mul3A_729] : memref<331776xf32, #tpu.memory_space<hbm>> -> memref<512xf32, #tpu.memory_space<hbm>>
          %dma_start3A_734 = tpu.memref_slice %arg4[%mul3A_729] : memref<331776xf32, #tpu.memory_space<hbm>> -> memref<512xf32, #tpu.memory_space<hbm>>
          tpu.enqueue_dma source(%arg11 : memref<512xf32, #tpu.memory_space<vmem>>) target(%dma_start3A_734 : memref<512xf32, #tpu.memory_space<hbm>>) target_semaphore(%run_scoped3A : memref<!tpu.dma_semaphore, #tpu.memory_space<semaphore_mem>>)
          %dma_wait3A = tpu.memref_slice %arg4[%mul3A_729] : memref<331776xf32, #tpu.memory_space<hbm>> -> memref<512xf32, #tpu.memory_space<hbm>>
          %dma_wait3A_735 = tpu.memref_slice %arg4[%mul3A_729] : memref<331776xf32, #tpu.memory_space<hbm>> -> memref<512xf32, #tpu.memory_space<hbm>>
          tpu.wait_dma2 semaphore(%run_scoped3A : memref<!tpu.dma_semaphore, #tpu.memory_space<semaphore_mem>>) src(%arg11 : memref<512xf32, #tpu.memory_space<vmem>>) dst(%dma_wait3A_735 : memref<512xf32, #tpu.memory_space<hbm>>)
          tpu.yield
        }) : () -> ()
        %add3A_730 = arith.constant 432 : i32
        %add3A_731 = arith.addi %add3A_730, %add3A_723 : i32
        %mul3A_732 = arith.constant 512 : i32
        %mul3A_733 = arith.muli %add3A_731, %mul3A_732 : i32
        "tpu.region"() ({
          %run_scoped3A = tpu.sem_alloc : memref<!tpu.dma_semaphore, #tpu.memory_space<semaphore_mem>>
          %dma_start3A = tpu.memref_slice %arg4[%mul3A_733] : memref<331776xf32, #tpu.memory_space<hbm>> -> memref<512xf32, #tpu.memory_space<hbm>>
          %dma_start3A_734 = tpu.memref_slice %arg4[%mul3A_733] : memref<331776xf32, #tpu.memory_space<hbm>> -> memref<512xf32, #tpu.memory_space<hbm>>
          tpu.enqueue_dma source(%arg12 : memref<512xf32, #tpu.memory_space<vmem>>) target(%dma_start3A_734 : memref<512xf32, #tpu.memory_space<hbm>>) target_semaphore(%run_scoped3A : memref<!tpu.dma_semaphore, #tpu.memory_space<semaphore_mem>>)
          %dma_wait3A = tpu.memref_slice %arg4[%mul3A_733] : memref<331776xf32, #tpu.memory_space<hbm>> -> memref<512xf32, #tpu.memory_space<hbm>>
          %dma_wait3A_735 = tpu.memref_slice %arg4[%mul3A_733] : memref<331776xf32, #tpu.memory_space<hbm>> -> memref<512xf32, #tpu.memory_space<hbm>>
          tpu.wait_dma2 semaphore(%run_scoped3A : memref<!tpu.dma_semaphore, #tpu.memory_space<semaphore_mem>>) src(%arg12 : memref<512xf32, #tpu.memory_space<vmem>>) dst(%dma_wait3A_735 : memref<512xf32, #tpu.memory_space<hbm>>)
          tpu.yield
        }) : () -> ()
      } else {
      }
    }
    %scan3A_52 = arith.constant 7 : i32
    return
  }
}

</mosaic_0001>

<sc_bundles>
// kernel: kernel.3.cloned.1.call-start
scs
__scs_entry_jumppad:
0x0: {  	(pc) =	sbr.rel $0x88, $3  }
0x1: {  	(tag) =	ssettag $0x0;
	lr =	simm.s32 $0x1  }
0x2: {  	[smem:$0x3F9F] =	sst lr;
	_ =	strace $0xD0000000  }
0x3: {  	_ = 	snop  }
0x4: {  	_ = 	snop  }
0x5: {  	_ = 	snop  }
0x6: {  	_ = 	snop  }
0x7: {  	_ = 	snop  }
__scs_overlays_trampoline_lowered:
0x8: {  	[smem:$0x3FAE] =	sst s0  }
0x9: {  	[smem:$0x3FAF] =	sst s1  }
0xa: {  	[smem:$0x3FB0] =	sst s2  }
0xb: {  	[smem:$0x3FB1] =	sst s3  }
0xc: {  	[smem:$0x3FB2] =	sst s4  }
0xd: {  	[smem:$0x3FB3] =	sst s5  }
0xe: {  	[smem:$0x3FB4] =	sst s6  }
0xf: {  	[smem:$0x3FB5] =	sst s7  }
0x10: {  	[smem:$0x3FB6] =	sst s8  }
0x11: {  	[smem:$0x3FB7] =	sst s9;
	s0 =	simm.s32 @!p0 $0x0  }
0x12: {  	s1 =	sld [smem:$0x3F9D];
	s0 =	simm.s32 @p0 $0x1  }
0x13: {  	[smem:$0x3FB8] =	sst s0;
	s0 =	simm.s32 @!p1 $0x0  }
0x14: {  	s2 =	sld [smem:$0x3F9C];
	s0 =	simm.s32 @p1 $0x1  }
0x15: {  	[smem:$0x3FB9] =	sst s0;
	s0 =	simm.s32 @!p2 $0x0  }
0x16: {  	s3 =	sld [smem:$0x3FDB];
	s0 =	simm.s32 @p2 $0x1  }
0x17: {  	s4 =	simm.s32 $0x1BF5;
	[smem:$0x3FBB] =	sst s0  }
0x18: {  	s0 =	sld [smem:$0x3F9E];
	_ =	swait.ge [sflag:s4], $0x0  }
0x19: {  	s7 =	sld [smem:$0x3F9F]  }
0x1a: {  	s8 =	sadd.s32 $0xFFFFE003, lr  }
0x1b: {  	s9 =	sadd.s32 $0xFFFFFEF7, lr;
	s5 =	simm.s32 $0xFFFFFFFF;
	p2 =	slt.u32 s8, $0xFFFFF086  }
0x1c: {  	p1 =	slt.u32 s9, $0xF7A;
	s5 =	simm.s32 @!p2 $0x0  }
0x1d: {  	s5 =	simm.s32 @p1 $0x1;
	p0 =	seq.s32 s7, s2  }
0x1e: {  	s7 =	smul.u32 @!p0 $0xF7A, s2;
	p2 =	seq.s32 @!p0 s5, $0x0  }
0x1f: {  	s9 =	smul.u32 $0xF7A, s1;
	s8 =	simm.s32 @!p0 $0x1BF5;
	p2 =	por !p2, p0  }
0x20: {  	[sflag:s8] =	ssyncset.s32 @!p0 $0xFFFFF086;
	s6 =	sadd.s32 @!p0 s3, s7;
	s7 =	simm.s32 @!p0 $0x108  }
0x21: {  	s3 =	sadd.s32 s3, s9;
	s6 =	sadd.s32 @!p0 $0x88, s6;
	s7 =	simm.s32 @p2 $0x1082  }
0x22: {  	[simem:s7], [sflag:s8] =	dma.local @!p0 [hbm:s6], $0xF7A  }
0x23: {  	s9 =	sor.u32 $0xD0000000, s2;
	s6 =	simm.s32 $0x108;
	_ =	swait.ge @!p0 [sflag:s8], $0x0  }
0x24: {  	s3 =	sadd.s32 $0x88, s3;
	s6 =	simm.s32 @!p1 $0x1082;
	[sflag:s4] =	ssyncset.s32 $0xFFFFF086  }
0x25: {  	[simem:s6], [sflag:s4] =	dma.local [hbm:s3], $0xF7A  }
0x26: {  	[smem:$0x3F9F] =	sst s1;
	(tag) =	ssettag s2;
	_ =	strace s9  }
0x27: {  	s1 =	sld [smem:$0x3FAF]  }
0x28: {  	s2 =	sld [smem:$0x3FB0]  }
0x29: {  	s4 =	sld [smem:$0x3FB2]  }
0x2a: {  	p0 =	seq.s32 s5, $0x0;
	s5 =	sld [smem:$0x3FB3]  }
0x2b: {  	s6 =	sld [smem:$0x3FB4]  }
0x2c: {  	s7 =	sld [smem:$0x3FB5]  }
0x2d: {  	s3 =	simm.s32 $0x108;
	s8 =	sld [smem:$0x3FB6]  }
0x2e: {  	s3 =	simm.s32 @!p0 $0x1082;
	s9 =	sld [smem:$0x3FB7]  }
0x2f: {  	lr =	sadd.s32 s0, s3;
	s0 =	sld [smem:$0x3FAE]  }
0x30: {  	s3 =	sld [smem:$0x3FB1]  }
0x31: {  	[smem:$0x3FBA] =	sst s10  }
0x32: {  	s10 =	sld [smem:$0x3FB8];
	_ =	sdelay $0x3  }
0x33: {  	p0 =	seq.s32 s10, $0x1;
	s10 =	sld [smem:$0x3FBA];
	_ =	sdelay $0x3  }
0x34: {  	[smem:$0x3FBA] =	sst s10  }
0x35: {  	s10 =	sld [smem:$0x3FB9];
	_ =	sdelay $0x3  }
0x36: {  	p1 =	seq.s32 s10, $0x1;
	s10 =	sld [smem:$0x3FBA];
	_ =	sdelay $0x3  }
0x37: {  	[smem:$0x3FBA] =	sst s10  }
0x38: {  	s10 =	sld [smem:$0x3FBB]  }
0x39: {  	_ = 	snop;
	(pc) =	sbr.ind lr, $3  }
0x3a: {  	_ = 	snop  }
0x3b: {  	_ = 	snop  }
0x3c: {  	p2 =	seq.s32 s10, $0x1;
	s10 =	sld [smem:$0x3FBA]  }
0x3d: {  	_ =	shalt  }
0x3e: {  	_ =	shalt  }
0x3f: {  	_ =	shalt  }
0x40: {  	_ =	shalt  }
0x41: {  	_ =	shalt  }
0x42: {  	_ =	shalt  }
0x43: {  	_ =	shalt  }
0x44: {  	_ =	shalt  }
0x45: {  	_ =	shalt  }
0x46: {  	_ =	shalt  }
0x47: {  	_ =	shalt  }
0x48: {  	_ =	shalt  }
0x49: {  	_ =	shalt  }
0x4a: {  	_ =	shalt  }
0x4b: {  	_ =	shalt  }
0x4c: {  	_ =	shalt  }
0x4d: {  	_ =	shalt  }
0x4e: {  	_ =	shalt  }
0x4f: {  	_ =	shalt  }
0x50: {  	_ =	shalt  }
0x51: {  	_ =	shalt  }
0x52: {  	_ =	shalt  }
0x53: {  	_ =	shalt  }
0x54: {  	_ =	shalt  }
0x55: {  	_ =	shalt  }
0x56: {  	_ =	shalt  }
0x57: {  	_ =	shalt  }
0x58: {  	_ =	shalt  }
0x59: {  	_ =	shalt  }
0x5a: {  	_ =	shalt  }
0x5b: {  	_ =	shalt  }
0x5c: {  	_ =	shalt  }
0x5d: {  	_ =	shalt  }
0x5e: {  	_ =	shalt  }
0x5f: {  	_ =	shalt  }
0x60: {  	_ =	shalt  }
0x61: {  	_ =	shalt  }
0x62: {  	_ =	shalt  }
0x63: {  	_ =	shalt  }
0x64: {  	_ =	shalt  }
0x65: {  	_ =	shalt  }
0x66: {  	_ =	shalt  }
0x67: {  	_ =	shalt  }
0x68: {  	_ =	shalt  }
0x69: {  	_ =	shalt  }
0x6a: {  	_ =	shalt  }
0x6b: {  	_ =	shalt  }
0x6c: {  	_ =	shalt  }
0x6d: {  	_ =	shalt  }
0x6e: {  	_ =	shalt  }
0x6f: {  	_ =	shalt  }
0x70: {  	_ =	shalt  }
0x71: {  	_ =	shalt  }
0x72: {  	_ =	shalt  }
0x73: {  	_ =	shalt  }
0x74: {  	_ =	shalt  }
0x75: {  	_ =	shalt  }
0x76: {  	_ =	shalt  }
0x77: {  	_ =	shalt  }
0x78: {  	_ =	shalt  }
0x79: {  	_ =	shalt  }
0x7a: {  	_ =	shalt  }
0x7b: {  	_ =	shalt  }
0x7c: {  	_ =	shalt  }
0x7d: {  	_ =	shalt  }
0x7e: {  	_ =	shalt  }
0x7f: {  	_ =	shalt  }
0x80: {  	_ =	shalt  }
0x81: {  	_ =	shalt  }
0x82: {  	_ =	shalt  }
0x83: {  	_ =	shalt  }
0x84: {  	_ =	shalt  }
0x85: {  	_ =	shalt  }
0x86: {  	_ =	shalt  }
0x87: {  	_ =	shalt  }
.Lfunc_end0:
.L_simem_size_0:
called_computation_lowered:
.L_overlay_start_0:
0x88: {  	s2 =	sld [smem:$0x3FD9]  }
0x89: {  	s3 =	sld [smem:$0x3FFE];
	_ =	sdelay $0x1  }
0x8a: {  	s1 =	srdreg.scid  }
0x8b: {  	s0 =	sand.u32 $0x1, s1  }
0x8c: {  	s17 =	sshll.u32 s0, $0xA;
	s2 =	sadd.s32 s3, s2  }
0x8d: {  	s2 =	sadd.s32 s2, s17  }
0x8e: {  	[smem:$0x3FC6] =	sst s2  }
0x8f: {  	_ = 	snop  }
0x90: {  	s2 =	sld [smem:$0x3FD0];
	(tm) =	ssettm $0x1  }
0x91: {  	s18 =	sld [smem:$0x3FFB];
	_ =	sdelay $0x3  }
0x92: {  	_ =	strace s18  }
0x93: {  	s3 =	sld [smem:$0x3FFC];
	_ =	sdelay $0x3  }
0x94: {  	_ =	strace s3  }
0x95: {  	s3 =	sld [smem:$0x3FFD];
	_ =	sdelay $0x3  }
0x96: {  	_ =	strace s3  }
0x97: {  	_ =	strace $0x8FFFFFFF  }
0x98: {  	s19 =	sld [smem:$0x3FDB];
	_ =	sdelay $0x1  }
0x99: {  	s4 =	simm.s32 $_scs_section_size  }
0x9a: {  	s5 =	simm.s32 $_size__tile_overlayer_lowered;
	s6 =	simm.s32 $_tile_overlayer_lowered  }
0x9b: {  	s22 =	simm.s32 $0x1BFF;
	s21 =	sshll.u32 s6, $0x1;
	s3 =	sadd.s32 s4, s19  }
0x9c: {  	s7 =	simm.s32 $0x0;
	s20 =	sshll.u32 s5, $0x1;
	s5 =	sadd.s32 s21, s3  }
0x9d: {  	[timem:s7], [sflag:s22] =	dma.local [hbm:s5], s20  }
0x9e: {  	_ =	swait.ge [sflag:s22], s20  }
0x9f: {  	s4 =	ssub.s32 $0x0, s20;
	[sflag:s22] =	ssyncset.done $0x0  }
0xa0: {  	[sflag:s22] =	ssyncadd.s32 s4;
	_ =	sdelay $0x1  }
0xa1: {  	s23 =	simm.s32 $0x1B8B  }
0xa2: {  	_ =	swait.ge [sflag:s23], $0x1  }
0xa3: {  	[sflag:s23] =	ssyncset.done $0x0  }
0xa4: {  	s25 =	simm.s32 $0x1B8E;
	s24 =	sld [smem:$0x3FFE];
	[sflag:s23] =	ssyncadd.s32 $0xFFFFFFFF  }
0xa5: {  	s26 =	simm.s32 $execute0_lowered;
	[smem:$0x3FD2] =	sst s25  }
0xa6: {  	s5 =	sshll.u32 s26, $0x1;
	_ =	strace $0x80000046;
	[dreg:$0x1] =	wrdreg $0xFFFFFFFF  }
0xa7: {  	s28 =	simm.s32 $_size_execute0_lowered;
	s3 =	sadd.s32 s3, s5;
	[dreg:$0x0] =	wrdreg $0x0  }
0xa8: {  	s5 =	sshll.u32 s28, $0x1;
	[dreg:$0x2] =	wrdreg s3  }
0xa9: {  	[dreg:$0x3] =	wrdreg s5  }
0xaa: {  	[dreg:$0x4] =	wrdreg $0xC0  }
0xab: {  	_ =	task [dreg:s7], $0x5FFFF  }
0xac: {  	[dreg:$0x1] =	wrdreg $0xFFFFFFFF  }
0xad: {  	[dreg:$0x0] =	wrdreg $0x60  }
0xae: {  	[dreg:$0x2] =	wrdreg s24  }
0xaf: {  	[dreg:$0x3] =	wrdreg s2  }
0xb0: {  	[dreg:$0x4] =	wrdreg $0x9  }
0xb1: {  	_ =	task.clear_ibuf [dreg:s7], $0x5FFFF;
	_ =	strace $0x90000046  }
0xb2: {  	s29 =	simm.s32 $0x9;
	_ =	strace $0x80000048  }
0xb3: {  	_ =	swait.ge [sflag:s29], $0x1  }
0xb4: {  	[sflag:s29] =	ssyncadd.s32 $0xFFFFFFFF  }
0xb5: {  	_ =	strace $0x90000048  }
0xb6: {  	_ =	sfence  }
0xb7: {  	s30 =	sld [smem:$0x0];
	_ =	sdelay $0x2  }
0xb8: {  	s31 =	sshll.u32 s1, $0xD;
	s1 =	sshrl.u32 s1, $0x2  }
0xb9: {  	s3 =	sand.u32 $0x4000, s31;
	s1 =	sadd.s32 s1, s30  }
0xba: {  	s0 =	sor.u32 s3, s0;
	s1 =	sshll.u32 s1, $0x11  }
0xbb: {  	s0 =	sor.u32 s1, s0  }
0xbc: {  	s0 =	sadd.s32 $0x8F2B, s0  }
0xbd: {  	[sflag:s0] =	ssyncadd.remote.s32 $0x1  }
0xbe: {  	_ =	sfence.sel $0xFFFF  }
0xbf: {  	[dreg:$0x0] =	wrdreg $0xFFFFFFFF;
	(pc) =	sbr.abs _section_cstart, $3  }
0xc0: {  	[dreg:$0x1] =	wrdreg $0xFFFFFFFF  }
0xc1: {  	_ =	task.clear_ibuf [dreg:s7], $0x2FFFF;
	_ =	strace $0x9FFFFFFF  }
0xc2: {  	(tm) =	ssettm $0x7FFFFFFF  }
0xc3: {  	_ =	shalt  }
tec
execute0_lowered:
.L_overlay_start_1:
0x0: {  	(tag) =	ssettag $0x1  }
0x1: {  	s0 =	rddreg [dreg:$0x0];
	s3 =	simm.s32 $0x0  }
0x2: {  	s7 =	stileid.u32;
	s4 =	srdreg.scid;
	s13 =	simm.s32 $0x1  }
0x3: {  	s14 =	simm.s32 $0x4000;
	s15 =	simm.s32 $0x8000;
	s16 =	simm.s32 $0xC000  }
0x4: {  	s28 =	simm.s32 $0x1070A;
	s29 =	simm.s32 $0x1070B;
	s30 =	simm.s32 $0x1070C  }
0x5: {  	s31 =	simm.s32 $0x1070D;
	s17 =	simm.s32 $0x0;
	[smem:$0x7FF] =	sst s3  }
0x6: {  	s1 =	sshrl.u32 s7, $0x1;
	s5 =	sand.u32 $0x1, s4;
	s22 =	sshll.u32 s7, $0x1  }
0x7: {  	v1 =	vlaneseq.u32;
	s4 =	sadd.s32 $0xC600, s0;
	s10 =	sadd.s32 $0xFC00, s0;
	s11 =	sadd.s32 $0x13200, s0  }
0x8: {  	v0 =	vor.u32 $0x10, v1;
	v3 =	vor.u32 $0x20, v1;
	v4 =	vor.u32 $0x30, v1;
	s2 =	smul.u32 $0xC000, s1;
	_ =	strace $0x80000047;
	s6 =	ssub.s32 $0x2, s5  }
0x9: {  	v5 =	vor.u32 $0x40, v1;
	v6 =	vor.u32 $0x50, v1;
	v7 =	vor.u32 $0x60, v1;
	s8 =	sand.u32 $0x2, s22;
	s9 =	smul.u32 $0x1B, s1;
	s1 =	simm.s32 $0x1070F  }
0xa: {  	v8 =	vor.u32 $0x70, v1;
	v9 =	vor.u32 $0x80, v1;
	v10 =	vor.u32 $0x90, v1;
	s23 =	sshrl.u32 s6, $0x1;
	s5 =	sor.u32 s5, s8;
	s8 =	simm.s32 $0x10500  }
0xb: {  	v11 =	vor.u32 $0xA0, v1;
	v12 =	vor.u32 $0xB0, v1;
	v13 =	vor.u32 $0xC0, v1;
	s2 =	sshrl.u32 s2, $0x3;
	s6 =	ssub.s32 s6, s23;
	s7 =	smul.u32 $0x7, s5  }
.Ltmp0:
0xc: {  	v14 =	vor.u32 $0xD0, v1;
	v15 =	vor.u32 $0xE0, v1;
	v16 =	vor.u32 $0xF0, v1;
	s2 =	sadd.s32 s2, s0;
	s26 =	smax.u32 s6, $0x1;
	(pc) =	sbr.rel .LBB2_1-.Ltmp0, $4  }
0xd: {  	v17 =	vor.u32 $0x100, v1;
	v18 =	vor.u32 $0x110, v1;
	v19 =	vor.u32 $0x120, v1;
	s5 =	simm.s32 $0x2;
	s24 =	sadd.s32 $0x600, s2;
	[dreg:$0x6] =	wrdreg s26  }
0xe: {  	v20 =	vor.u32 $0x130, v1;
	v21 =	vor.u32 $0x140, v1;
	v22 =	vor.u32 $0x150, v1;
	s0 =	simm.s32 $0x1070E;
	s25 =	sadd.s32 $0xE00, s2;
	[dreg:$0x3] =	wrdreg s24  }
0xf: {  	v23 =	vor.u32 $0x160, v1;
	v24 =	vor.u32 $0x170, v1;
	v25 =	vor.u32 $0x180, v1;
	s6 =	simm.s32 $0x10300;
	s2 =	sadd.s32 $0x1600, s2;
	[dreg:$0x4] =	wrdreg s25  }
0x10: {  	v26 =	vor.u32 $0x190, v1;
	v27 =	vor.u32 $0x1A0, v1;
	v28 =	vor.u32 $0x1B0, v1;
	[tilespmem:$0x1FFF0] =	vst v0;
	s26 =	simm.s32 $0x10709;
	[dreg:$0x5] =	wrdreg s2;
	s2 =	simm.s32 $0x10100  }
.LBB2_7:
0x11: {  	s17 =	rddreg [dreg:$0x7]  }
0x12: {  	s12 =	rddreg [dreg:$0x6];
	s17 =	sadd.s32 $0x1, s17  }
0x13: {  	p0 =	sne.s32 s17, s12  }
.Ltmp1:
0x14: {  	_ = 	snop;
	(pc) =	sbr.rel @!p0 .LBB2_8-.Ltmp1, $1  }
0x15: {  	_ =	sdelay $0x3  }
.LBB2_1:
0x16: {  	[dreg:$0x7] =	wrdreg s17  }
0x17: {  	s12 =	rddreg [dreg:$0x3]  }
0x18: {  	[tilespmem:s3], [sflag:$0x1] =	stream.linear.gather [hbm4b:s12+s3], $0x4000, $0x38;
	[tilespmem:$0x10780] =	vst v63  }
0x19: {  	_ =	swait.ge [sflag:s13], $0x4000  }
0x1a: {  	[sflag:s13] =	ssyncset.done $0x0  }
0x1b: {  	s23 =	rddreg [dreg:$0x4];
	[sflag:s13] =	ssyncadd.s32 $0xFFFFC000  }
0x1c: {  	[tilespmem:s14], [sflag:$0x1] =	stream.linear.gather [hbm4b:s23+s3], $0x4000, $0x38;
	[tilespmem:$0x10780] =	vst v63  }
0x1d: {  	_ =	swait.ge [sflag:s13], $0x4000  }
0x1e: {  	[sflag:s13] =	ssyncset.done $0x0  }
0x1f: {  	s24 =	rddreg [dreg:$0x5];
	[sflag:s13] =	ssyncadd.s32 $0xFFFFC000  }
0x20: {  	[tilespmem:s15], [sflag:$0x1] =	stream.linear.gather [hbm4b:s24+s3], $0x4000, $0x38;
	[tilespmem:$0x10780] =	vst v63  }
0x21: {  	_ =	swait.ge [sflag:s13], $0x4000  }
0x22: {  	[sflag:s13] =	ssyncset.done $0x0  }
0x23: {  	[sflag:s13] =	ssyncadd.s32 $0xFFFFC000  }
.Ltmp2:
0x24: {  	s25 =	rddreg [dreg:$0x1];
	(pc) =	sbr.rel .LBB2_2-.Ltmp2, $4  }
0x25: {  	[tilespmem:s16], [sflag:$0x1] =	stream.linear.gather [hbm4b:s25+s3], $0x80, $0x38;
	[tilespmem:$0x10780] =	vst v63  }
0x26: {  	_ =	swait.ge [sflag:s13], $0x80  }
0x27: {  	[sflag:s13] =	ssyncset.done $0x0  }
0x28: {  	s12 =	simm.s32 $0x0;
	[sflag:s13] =	ssyncadd.s32 $0xFFFFFF80  }
.LBB2_6:
0x29: {  	s12 =	sadd.s32 $0x1, s12  }
0x2a: {  	p0 =	sne.s32 s12, $0x7  }
.Ltmp3:
0x2b: {  	_ = 	snop;
	(pc) =	sbr.rel @!p0 .LBB2_7-.Ltmp3, $1  }
0x2c: {  	_ =	sdelay $0x3  }
.LBB2_2:
0x2d: {  	s17 =	sadd.s32 s7, s12  }
0x2e: {  	p0 =	sgt.u32 s17, $0x1A  }
.Ltmp4:
0x2f: {  	_ = 	snop;
	(pc) =	sbr.rel @p0 .LBB2_6-.Ltmp4, $1  }
0x30: {  	_ =	sdelay $0x3  }
0x31: {  	v29 =	vmov s17  }
0x32: {  	v30 =	vor.u32 $0x20, v29  }
0x33: {  	v32 =	vor.u32 $0x40, v29;
	_ =	sdelay $0x2  }
0x34: {  	v31 =	vld.idx.msk [tilespmem:v29+s16+$0x0], $0xffff  }
0x35: {  	v0 =	vimm.s32 $0x0;
	v30 =	vld.idx.msk [tilespmem:v30+s16+$0x0], $0xffff  }
0x36: {  	s18 =	simm.s32 $0x8040;
	v29 =	vld.idx.msk [tilespmem:v32+s16+$0x0], $0xffff;
	[tilespmem:$0xC080] =	vst v0  }
0x37: {  	v56 =	vld [tilespmem:s18+$0x30]  }
0x38: {  	s19 =	simm.s32 $0x40;
	v33 =	vld [tilespmem:s18+$0x20]  }
0x39: {  	s20 =	simm.s32 $0x4040;
	v34 =	vld [tilespmem:s19+$0x30]  }
0x3a: {  	v35 =	vld [tilespmem:s20+$0x30]  }
0x3b: {  	v36 =	vld [tilespmem:s18+$0x10]  }
0x3c: {  	v37 =	vld [tilespmem:s19+$0x20]  }
0x3d: {  	v39 =	vld [tilespmem:s18+$0x0]  }
0x3e: {  	v40 =	vld [tilespmem:s19+$0x10]  }
0x3f: {  	v41 =	vld [tilespmem:s18+$0xFFFFFFF0]  }
0x40: {  	v42 =	vld [tilespmem:s19+$0x0]  }
0x41: {  	v43 =	vld [tilespmem:s18+$0xFFFFFFE0]  }
0x42: {  	v44 =	vld [tilespmem:s19+$0xFFFFFFF0]  }
0x43: {  	v45 =	vld [tilespmem:s18+$0xFFFFFFD0];
	v33 =	vsub.f32 v33, v29;
	v32 =	vsub.f32 v56, v29  }
0x44: {  	v46 =	vld [tilespmem:s18+$0xFFFFFFC0];
	v34 =	vsub.f32 v34, v31;
	v35 =	vsub.f32 v35, v30  }
0x45: {  	v47 =	vld [tilespmem:s19+$0xFFFFFFE0];
	v36 =	vsub.f32 v36, v29;
	v37 =	vsub.f32 v37, v31  }
0x46: {  	v48 =	vld [tilespmem:s19+$0xFFFFFFC0];
	v39 =	vsub.f32 v39, v29;
	v41 =	vsub.f32 v41, v29  }
0x47: {  	v49 =	vld [tilespmem:s20+$0xFFFFFFC0];
	v40 =	vsub.f32 v40, v31;
	v42 =	vsub.f32 v42, v31  }
0x48: {  	v50 =	vld [tilespmem:s19+$0xFFFFFFD0];
	v43 =	vsub.f32 v43, v29;
	v44 =	vsub.f32 v44, v31  }
0x49: {  	v51 =	vld [tilespmem:s20+$0xFFFFFFD0];
	v45 =	vsub.f32 v45, v29;
	v46 =	vsub.f32 v46, v29  }
0x4a: {  	v52 =	vld [tilespmem:s20+$0xFFFFFFE0];
	v47 =	vsub.f32 v47, v31;
	v33 =	vmul.f32 v33, v33;
	v34 =	vmul.f32 v34, v34  }
0x4b: {  	v53 =	vld [tilespmem:s20+$0xFFFFFFF0];
	v48 =	vsub.f32 v48, v31;
	v36 =	vmul.f32 v36, v36;
	v37 =	vmul.f32 v37, v37  }
0x4c: {  	v49 =	vsub.f32 v49, v30;
	v39 =	vmul.f32 v39, v39;
	v40 =	vmul.f32 v40, v40  }
0x4d: {  	v38 =	vld [tilespmem:s20+$0x20];
	v50 =	vsub.f32 v50, v31;
	v41 =	vmul.f32 v41, v41;
	v42 =	vmul.f32 v42, v42  }
0x4e: {  	v51 =	vsub.f32 v51, v30;
	v48 =	vmul.f32 v48, v48;
	v49 =	vmul.f32 v49, v49  }
0x4f: {  	v54 =	vld [tilespmem:s20+$0x0];
	v52 =	vsub.f32 v52, v30;
	v46 =	vmul.f32 v46, v46;
	v43 =	vmul.f32 v43, v43  }
0x50: {  	v53 =	vsub.f32 v53, v30;
	v57 =	vmul.f32 v50, v50;
	v58 =	vmul.f32 v51, v51  }
0x51: {  	v59 =	vld [tilespmem:s20+$0x10];
	v45 =	vmul.f32 v45, v45;
	v47 =	vmul.f32 v47, v47;
	v48 =	vadd.f32 v49, v48  }
0x52: {  	v38 =	vsub.f32 v38, v30;
	v61 =	vmul.f32 v52, v52;
	v44 =	vmul.f32 v44, v44  }
0x53: {  	v62 =	vmul.f32 v53, v53;
	v60 =	vadd.f32 v58, v57;
	v46 =	vadd.f32 v46, v48  }
0x54: {  	v63 =	vsub.f32 v54, v30;
	v38 =	vmul.f32 v38, v38;
	v35 =	vmul.f32 v35, v35  }
0x55: {  	v56 =	vadd.f32 v61, v47;
	v45 =	vadd.f32 v45, v60;
	vm2 =	vlt.f32 v46, $2.500000000e-01  }
0x56: {  	v59 =	vsub.f32 v59, v30;
	v58 =	vmul.f32 v63, v63;
	v57 =	vmpcnt.ones.xlane vm2  }
0x57: {  	s19 =	simm.s32 $0x40C0;
	v44 =	vadd.f32 v62, v44;
	v43 =	vadd.f32 v43, v56;
	vm3 =	vlt.f32 v45, $2.500000000e-01  }
0x58: {  	s22 =	simm.s32 $0x80C0;
	v2 =	vld [tilespmem:s19+$0xFFFFFFE0];
	v62 =	vmul.f32 v59, v59;
	v61 =	vmpcnt.ones.xlane vm3;
	v60 =	vxor.u32 $0x80000000, v57  }
0x59: {  	s18 =	simm.s32 $0xC0;
	v63 =	vld [tilespmem:s22+$0x30];
	v41 =	vadd.f32 v41, v44;
	v42 =	vadd.f32 v58, v42;
	vm4 =	vlt.f32 v43, $2.500000000e-01;
	(xrf0) =	vmax.scan.msk.u32 $0xffff, v60  }
0x5a: {  	v37 =	vadd.f32 v38, v37;
	v38 =	vld [tilespmem:s18+$0x20];
	v55 =	vmpcnt.ones.xlane vm4;
	v54 =	vxor.u32 $0x80000000, v61  }
0x5b: {  	v48 =	vld [tilespmem:s22+$0x20];
	v40 =	vadd.f32 v62, v40;
	vm5 =	vlt.f32 v41, $2.500000000e-01;
	v39 =	vadd.f32 v39, v42;
	(xrf0) =	vmax.scan.msk.u32 $0xffff, v54  }
0x5c: {  	v32 =	vmul.f32 v32, v32;
	v44 =	vld [tilespmem:s22+$0xFFFFFFF0];
	v56 =	vxor.u32 $0x80000000, v55;
	v57 =	vmpcnt.ones.xlane vm5  }
0x5d: {  	v34 =	vadd.f32 v35, v34;
	v46 =	vld [tilespmem:s18+$0x30];
	v36 =	vadd.f32 v36, v40;
	vm6 =	vlt.f32 v39, $2.500000000e-01;
	(xrf0) =	vmax.scan.msk.u32 $0xffff, v56  }
0x5e: {  	v41 =	vld [tilespmem:s19+$0x30];
	v59 =	vmpcnt.ones.xlane vm6;
	v58 =	vxor.u32 $0x80000000, v57  }
0x5f: {  	v33 =	vadd.f32 v33, v37;
	v53 =	vadd.f32 v32, v34;
	v45 =	vld [tilespmem:s22+$0x10];
	vm8 =	vlt.f32 v36, $2.500000000e-01;
	v50, _, _ =	vpop (xrf0);
	(xrf0) =	vmax.scan.msk.u32 $0xffff, v58  }
0x60: {  	v40 =	vld [tilespmem:s18+$0x10];
	v52 =	vmpcnt.ones.xlane vm8;
	v51 =	vxor.u32 $0x80000000, v59;
	(v2sf) =	vpush v50, $0xF  }
0x61: {  	vm0 =	vlt.f32 v33, $2.500000000e-01;
	vm1 =	vlt.f32 v53, $2.500000000e-01;
	v42 =	vld [tilespmem:s22+$0xFFFFFFC0];
	v54, _, _ =	vpop (xrf0);
	(xrf0) =	vmax.scan.msk.u32 $0xffff, v51  }
0x62: {  	v60 =	vld [tilespmem:s19+$0x20];
	v55 =	vxor.u32 $0x80000000, v52;
	v56 =	vmpcnt.ones.xlane vm0;
	(v2sf) =	vpush v54, $0xF  }
0x63: {  	v2 =	vsub.f32 v2, v30;
	v32 =	vsub.f32 v63, v29;
	v62 =	vmpcnt.ones.xlane vm1;
	v63 =	vld [tilespmem:s18+$0xFFFFFFF0];
	v61, _, _ =	vpop (xrf0);
	(xrf0) =	vmax.scan.msk.u32 $0xffff, v55  }
0x64: {  	v36 =	vld [tilespmem:s22+$0x0];
	v43 =	vsub.f32 v48, v29;
	v35 =	vxor.u32 $0x80000000, v56;
	(v2sf) =	vpush v61, $0xF  }
0x65: {  	v2 =	vmul.f32 v2, v2;
	v48 =	vld [tilespmem:s22+$0xFFFFFFE0];
	v44 =	vsub.f32 v44, v29;
	v46 =	vsub.f32 v46, v31;
	v58, _, _ =	vpop (xrf0);
	(xrf0) =	vmax.scan.msk.u32 $0xffff, v35  }
0x66: {  	s21 =	simm.s32 $0x0;
	v57 =	vld [tilespmem:s18+$0x0];
	v34 =	vsub.f32 v41, v30;
	v59 =	vxor.u32 $0x80000000, v62;
	(v2sf) =	vpush v58, $0xF  }
0x67: {  	s23 =	simm.s32 $0x70;
	v47 =	vor.u32 s21, v1;
	v45 =	vsub.f32 v45, v29;
	v41 =	vld [tilespmem:s18+$0xFFFFFFE0];
	v37 =	vsub.f32 v60, v30;
	v60, _, _ =	vpop (xrf0);
	(xrf0) =	vmax.scan.msk.u32 $0xffff, v59  }
0x68: {  	v33 =	vor.u32 s23, v1;
	v49 =	vsub.f32 v63, v31;
	v63 =	vld [tilespmem:s19+$0xFFFFFFD0];
	(v2sf) =	vpush v60, $0xF  }
0x69: {  	v52 =	vsub.f32 v38, v31;
	v62 =	vsub.f32 v42, v29;
	v39 =	vmul.f32 v43, v43;
	v50 =	vld [tilespmem:s22+$0xFFFFFFD0];
	v61, _, _ =	vpop (xrf0)  }
0x6a: {  	v44 =	vmul.f32 v44, v44;
	v54 =	vsub.f32 v40, v31;
	v40 =	vld [tilespmem:s18+$0xFFFFFFC0];
	(v2sf) =	vpush v61, $0xF  }
0x6b: {  	s23 =	simm.s32 $0x30;
	v48 =	vsub.f32 v48, v29;
	v49 =	vmul.f32 v49, v49;
	v51 =	vsub.f32 v36, v29;
	v58 =	vld [tilespmem:s19+$0xFFFFFFC0];
	v36, _, _ =	vpop (xrf0)  }
0x6c: {  	v56 =	vsub.f32 v57, v31;
	v57 =	vor.u32 s23, v1;
	s22 =	simm.s32 $0x20;
	v60 =	vld [tilespmem:s18+$0xFFFFFFD0];
	(v2sf) =	vpush v36, $0xF  }
0x6d: {  	v0 =	vsub.f32 v41, v31;
	v48 =	vmul.f32 v48, v48;
	v55 =	vor.u32 s22, v1;
	v41, _, _ =	vpop (xrf0)  }
0x6e: {  	v42 =	vmul.f32 v51, v51;
	v43 =	vmul.f32 v54, v54;
	(v2sf) =	vpush v41, $0xF  }
0x6f: {  	v54 =	vsub.f32 v63, v30;
	v36 =	vmul.f32 v46, v46;
	v46 =	vsub.f32 v40, v31;
	s22 =	spop (v2sf)  }
0x70: {  	v40 =	vmul.f32 v45, v45;
	v41 =	vmul.f32 v52, v52;
	v52 =	vsub.f32 v58, v30;
	s20 =	sadd.s32 $0x0, s22  }
0x71: {  	s21 =	simm.s32 $0x60;
	v51 =	vsub.f32 v60, v31;
	v45 =	vmul.f32 v56, v56;
	v60 =	vmul.f32 v62, v62;
	v58 =	vld [tilespmem:s19+$0xFFFFFFF0];
	s23 =	spop (v2sf);
	s20 =	sadd.s32 $0x80000000, s20  }
0x72: {  	s25 =	simm.s32 $0x10;
	v38 =	vor.u32 s21, v1;
	v56 =	vld [tilespmem:s19+$0x0];
	v46 =	vmul.f32 v46, v46;
	v52 =	vmul.f32 v52, v52;
	s21 =	sadd.s32 s23, s20  }
0x73: {  	s24 =	simm.s32 $0x80;
	v53 =	vor.u32 s25, v1;
	v62 =	vmul.f32 v54, v54;
	v51 =	vmul.f32 v51, v51;
	s22 =	spop (v2sf);
	s21 =	sadd.s32 $0x80000000, s21  }
0x74: {  	v35 =	vor.u32 s24, v1;
	s24 =	simm.s32 $0x40;
	v50 =	vsub.f32 v50, v29;
	v54 =	vld [tilespmem:s19+$0x10];
	v46 =	vadd.f32 v52, v46;
	s22 =	sadd.s32 s22, s21  }
0x75: {  	v0 =	vmul.f32 v0, v0;
	v59 =	vor.u32 s24, v1;
	v63 =	vadd.f32 v62, v51;
	s22 =	sadd.s32 $0x80000000, s22;
	s24 =	spop (v2sf)  }
0x76: {  	s25 =	simm.s32 $0x50;
	v50 =	vmul.f32 v50, v50;
	s23 =	simm.s32 $0x0;
	v58 =	vsub.f32 v58, v30;
	[tilespmem:s20+$0xC080] =	vst.msk vm3, v53;
	v46 =	vadd.f32 v60, v46;
	s24 =	sadd.s32 s24, s22  }
0x77: {  	v0 =	vadd.f32 v2, v0;
	v61 =	vor.u32 s25, v1;
	v62 =	vsub.f32 v56, v30;
	[tilespmem:s23+$0xC080] =	vst.msk vm2, v47;
	s25 =	spop (v2sf);
	s23 =	sadd.s32 $0x80000000, s24  }
0x78: {  	v47 =	vadd.f32 v50, v63;
	v60 =	vmul.f32 v58, v58;
	[tilespmem:s21+$0xC080] =	vst.msk vm4, v55;
	vm7 =	vlt.f32 v46, $2.500000000e-01;
	s24 =	sadd.s32 s25, s23  }
0x79: {  	v48 =	vadd.f32 v48, v0;
	s20 =	simm.s32 $0xF0;
	v63 =	vsub.f32 v54, v30;
	[tilespmem:s22+$0xC080] =	vst.msk vm5, v57;
	v2 =	vmpcnt.ones.xlane vm7;
	s25 =	spop (v2sf);
	s24 =	sadd.s32 $0x80000000, s24  }
0x7a: {  	s21 =	simm.s32 $0x8;
	v46 =	vmul.f32 v62, v62;
	vm2 =	vlt.f32 v47, $2.500000000e-01;
	v49 =	vadd.f32 v60, v49;
	s22 =	simm.s32 $0x8140;
	[tilespmem:s23+$0xC080] =	vst.msk vm6, v59;
	s25 =	sadd.s32 s25, s24  }
0x7b: {  	v47 =	vmul.f32 v63, v63;
	v50 =	vmpcnt.ones.xlane vm2;
	v51 =	vxor.u32 $0x80000000, v2;
	s23 =	simm.s32 $0xF0;
	[tilespmem:s24+$0xC080] =	vst.msk vm8, v61;
	s24 =	sadd.s32 $0x80000000, s25;
	s25 =	spop (v2sf)  }
.LBB2_4:
0x7c: {  	v0 =	vld [tilespmem:s22+$0x30];
	vm3 =	vlt.f32 v48, $2.500000000e-01;
	v2 =	vadd.f32 v44, v49;
	v44 =	vadd.f32 v46, v45;
	(xrf0) =	vmax.scan.msk.u32 $0xffff, v51;
	s25 =	sadd.s32 s25, s24  }
0x7d: {  	v37 =	vmul.f32 v37, v37;
	s18 =	sadd.s32 $0x80, s18;
	v45 =	vld [tilespmem:s22+$0x20];
	v46 =	vxor.u32 $0x80000000, v50;
	v48 =	vmpcnt.ones.xlane vm3;
	[tilespmem:s24+$0xC080] =	vst.msk vm0, v38;
	s24 =	sadd.s32 $0x80000000, s25;
	s25 =	spop (v2sf)  }
0x7e: {  	s19 =	sadd.s32 $0x80, s19;
	v38 =	vld [tilespmem:s18+$0x30];
	vm4 =	vlt.f32 v2, $2.500000000e-01;
	v2 =	vadd.f32 v42, v44;
	v42 =	vadd.f32 v47, v43;
	(xrf0) =	vmax.scan.msk.u32 $0xffff, v46;
	s25 =	sadd.s32 s25, s24  }
0x7f: {  	v43 =	vld [tilespmem:s19+$0x30];
	v44 =	vxor.u32 $0x80000000, v48;
	v46 =	vmpcnt.ones.xlane vm4;
	v48 =	vmul.f32 v34, v34;
	[tilespmem:s24+$0xC080] =	vst.msk vm1, v33;
	s24 =	sadd.s32 $0x80000000, s25  }
0x80: {  	v33 =	vadd.f32 v37, v41;
	v47 =	vld [tilespmem:s22+$0x10];
	vm5 =	vlt.f32 v2, $2.500000000e-01;
	v2 =	vadd.f32 v40, v42;
	(xrf0) =	vmax.scan.msk.u32 $0xffff, v44  }
0x81: {  	v42 =	vmul.f32 v32, v32;
	v37 =	vld [tilespmem:s18+$0x20];
	[tilespmem:s24+$0xC080] =	vst.msk vm7, v35;
	v35 =	vxor.u32 $0x80000000, v46;
	v40 =	vmpcnt.ones.xlane vm5  }
0x82: {  	v41 =	vld [tilespmem:s19+$0x20];
	vm6 =	vlt.f32 v2, $2.500000000e-01;
	v2 =	vadd.f32 v39, v33;
	v33 =	vadd.f32 v48, v36;
	v34, _, _ =	vpop (xrf0);
	(xrf0) =	vmax.scan.msk.u32 $0xffff, v35  }
0x83: {  	v36 =	vld [tilespmem:s22+$0x0];
	v35 =	vxor.u32 $0x80000000, v40;
	v39 =	vmpcnt.ones.xlane vm6;
	(v2sf) =	vpush v34, $0xF  }
0x84: {  	v40 =	vld [tilespmem:s18+$0x10];
	vm0 =	vlt.f32 v2, $2.500000000e-01;
	v2 =	vadd.f32 v42, v33;
	v32, _, _ =	vpop (xrf0);
	(xrf0) =	vmax.scan.msk.u32 $0xffff, v35  }
0x85: {  	v42 =	vld [tilespmem:s22+$0xFFFFFFF0];
	v33 =	vxor.u32 $0x80000000, v39;
	v34 =	vmpcnt.ones.xlane vm0;
	(v2sf) =	vpush v32, $0xF  }
0x86: {  	v44 =	vsub.f32 v45, v29;
	v32 =	vsub.f32 v0, v29;
	v39 =	vld [tilespmem:s18+$0x0];
	vm1 =	vlt.f32 v2, $2.500000000e-01;
	v0, _, _ =	vpop (xrf0);
	(xrf0) =	vmax.scan.msk.u32 $0xffff, v33  }
0x87: {  	v2 =	vld [tilespmem:s22+$0xFFFFFFE0];
	v35 =	vxor.u32 $0x80000000, v34;
	v45 =	vmpcnt.ones.xlane vm1;
	(v2sf) =	vpush v0, $0xF  }
0x88: {  	s23 =	sadd.s32 $0x80, s23;
	v46 =	vsub.f32 v38, v31;
	v33 =	vor.u32 s20, v1;
	v34 =	vsub.f32 v43, v30;
	v0 =	vld [tilespmem:s18+$0xFFFFFFF0];
	v38, _, _ =	vpop (xrf0);
	(xrf0) =	vmax.scan.msk.u32 $0xffff, v35  }
0x89: {  	s25 =	sadd.s32 $0xFFFFFF90, s23;
	v47 =	vsub.f32 v47, v29;
	v43 =	vld [tilespmem:s22+$0xFFFFFFD0];
	v45 =	vxor.u32 $0x80000000, v45;
	(v2sf) =	vpush v38, $0xF  }
0x8a: {  	v48 =	vsub.f32 v37, v31;
	v37 =	vsub.f32 v41, v30;
	v35 =	vor.u32 s25, v1;
	s25 =	sadd.s32 $0xFFFFFFA0, s20;
	v38 =	vld [tilespmem:s18+$0xFFFFFFE0];
	v41, _, _ =	vpop (xrf0);
	(xrf0) =	vmax.scan.msk.u32 $0xffff, v45  }
0x8b: {  	v49 =	vsub.f32 v36, v29;
	v50 =	vor.u32 s25, v1;
	s25 =	sadd.s32 $0xFFFFFFB0, s20;
	v45 =	vld [tilespmem:s22+$0xFFFFFFC0];
	(v2sf) =	vpush v41, $0xF  }
0x8c: {  	v52 =	vsub.f32 v40, v31;
	v51 =	vsub.f32 v42, v29;
	v53 =	vor.u32 s25, v1;
	s25 =	sadd.s32 $0xFFFFFFC0, s20;
	v36, _, _ =	vpop (xrf0)  }
0x8d: {  	v54 =	vsub.f32 v39, v31;
	v55 =	vor.u32 s25, v1;
	s25 =	sadd.s32 $0xFFFFFFD0, s20;
	v40 =	vld [tilespmem:s18+$0xFFFFFFC0];
	(v2sf) =	vpush v36, $0xF  }
0x8e: {  	s21 =	sadd.s32 $0x8, s21;
	v2 =	vsub.f32 v2, v29;
	v56 =	vor.u32 s25, v1;
	s25 =	sadd.s32 $0xFFFFFFE0, s20;
	v0 =	vsub.f32 v0, v31;
	v42 =	vld [tilespmem:s19+$0xFFFFFFC0];
	v36, _, _ =	vpop (xrf0)  }
0x8f: {  	p0 =	slt.u32 s21, $0x3F8;
	v59 =	vor.u32 s25, v1;
	s25 =	sadd.s32 $0xFFFFFFF0, s20;
	s20 =	smov.u32 s23;
	v58 =	vsub.f32 v43, v29;
	v57 =	vld [tilespmem:s18+$0xFFFFFFD0];
	(v2sf) =	vpush v36, $0xF  }
0x90: {  	v62 =	vsub.f32 v38, v31;
	v38 =	vor.u32 s25, v1;
	v60 =	vsub.f32 v45, v29;
	v61 =	vld [tilespmem:s19+$0xFFFFFFD0];
	v41, _, _ =	vpop (xrf0)  }
0x91: {  	v39 =	vmul.f32 v44, v44;
	v36 =	vmul.f32 v46, v46;
	v63 =	vld [tilespmem:s19+$0xFFFFFFE0];
	(v2sf) =	vpush v41, $0xF  }
0x92: {  	v41 =	vmul.f32 v48, v48;
	v46 =	vsub.f32 v40, v31;
	v40 =	vmul.f32 v47, v47;
	s25 =	spop (v2sf)  }
0x93: {  	v43 =	vmul.f32 v52, v52;
	v47 =	vsub.f32 v42, v30;
	v48 =	vld [tilespmem:s19+$0xFFFFFFF0];
	v42 =	vmul.f32 v49, v49;
	s24 =	sadd.s32 s25, s24  }
0x94: {  	v44 =	vmul.f32 v51, v51;
	v45 =	vmul.f32 v54, v54;
	v49 =	vsub.f32 v57, v31;
	s24 =	sadd.s32 $0x80000000, s24;
	s25 =	spop (v2sf)  }
0x95: {  	v46 =	vmul.f32 v46, v46;
	v47 =	vmul.f32 v47, v47;
	v51 =	vsub.f32 v61, v30;
	v52 =	vld [tilespmem:s19+$0x0];
	[tilespmem:s24+$0xC080] =	vst.msk vm2, v50;
	s24 =	sadd.s32 s25, s24  }
0x96: {  	v2 =	vmul.f32 v2, v2;
	v50 =	vmul.f32 v60, v60;
	v54 =	vsub.f32 v63, v30;
	s24 =	sadd.s32 $0x80000000, s24;
	s25 =	spop (v2sf)  }
0x97: {  	v46 =	vadd.f32 v47, v46;
	v47 =	vmul.f32 v49, v49;
	v49 =	vmul.f32 v51, v51;
	v51 =	vld [tilespmem:s19+$0x10];
	[tilespmem:s24+$0xC080] =	vst.msk vm3, v53;
	s24 =	sadd.s32 s25, s24  }
0x98: {  	v57 =	vmul.f32 v62, v62;
	v53 =	vmul.f32 v58, v58;
	v48 =	vsub.f32 v48, v30;
	s24 =	sadd.s32 $0x80000000, s24;
	s25 =	spop (v2sf)  }
0x99: {  	v46 =	vadd.f32 v50, v46;
	v47 =	vadd.f32 v49, v47;
	v49 =	vmul.f32 v54, v54;
	[tilespmem:s24+$0xC080] =	vst.msk vm4, v55;
	s24 =	sadd.s32 s25, s24  }
.Ltmp5:
0x9a: {  	v0 =	vmul.f32 v0, v0;
	v50 =	vmul.f32 v48, v48;
	v48 =	vsub.f32 v52, v30;
	s24 =	sadd.s32 $0x80000000, s24;
	s25 =	spop (v2sf);
	(pc) =	sbr.rel @p0 .LBB2_4-.Ltmp5, $4  }
0x9b: {  	vm7 =	vlt.f32 v46, $2.500000000e-01;
	v47 =	vadd.f32 v53, v47;
	v49 =	vadd.f32 v49, v57;
	[tilespmem:s24+$0xC080] =	vst.msk vm5, v56;
	s24 =	sadd.s32 s25, s24  }
0x9c: {  	v52 =	vmpcnt.ones.xlane vm7;
	v46 =	vmul.f32 v48, v48;
	v53 =	vsub.f32 v51, v30;
	s24 =	sadd.s32 $0x80000000, s24;
	s25 =	spop (v2sf)  }
0x9d: {  	vm2 =	vlt.f32 v47, $2.500000000e-01;
	v48 =	vadd.f32 v2, v49;
	v49 =	vadd.f32 v50, v0;
	[tilespmem:s24+$0xC080] =	vst.msk vm6, v59;
	s24 =	sadd.s32 s25, s24  }
0x9e: {  	s22 =	sadd.s32 $0x80, s22;
	v51 =	vxor.u32 $0x80000000, v52;
	v50 =	vmpcnt.ones.xlane vm2;
	v47 =	vmul.f32 v53, v53;
	s24 =	sadd.s32 $0x80000000, s24;
	s25 =	spop (v2sf)  }
0x9f: {  	v0 =	vadd.f32 v44, v49;
	v2 =	vadd.f32 v46, v45  }
0xa0: {  	vm3 =	vlt.f32 v48, $2.500000000e-01;
	v37 =	vmul.f32 v37, v37  }
0xa1: {  	(xrf0) =	vmax.scan.msk.u32 $0xffff, v51;
	vm4 =	vlt.f32 v0, $2.500000000e-01;
	v0 =	vadd.f32 v42, v2;
	v2 =	vadd.f32 v47, v43  }
0xa2: {  	v48 =	vxor.u32 $0x80000000, v50;
	v49 =	vmpcnt.ones.xlane vm3  }
0xa3: {  	(xrf0) =	vmax.scan.msk.u32 $0xffff, v48;
	vm5 =	vlt.f32 v0, $2.500000000e-01;
	v0 =	vadd.f32 v40, v2;
	v2 =	vadd.f32 v37, v41  }
0xa4: {  	v50 =	vxor.u32 $0x80000000, v49;
	v51 =	vmpcnt.ones.xlane vm4  }
0xa5: {  	(xrf0) =	vmax.scan.msk.u32 $0xffff, v50;
	vm6 =	vlt.f32 v0, $2.500000000e-01;
	v0 =	vadd.f32 v39, v2  }
0xa6: {  	v52 =	vxor.u32 $0x80000000, v51;
	v53 =	vmpcnt.ones.xlane vm5  }
0xa7: {  	v2, _, _ =	vpop (xrf0);
	(xrf0) =	vmax.scan.msk.u32 $0xffff, v52  }
0xa8: {  	v54 =	vxor.u32 $0x80000000, v53;
	v55 =	vmpcnt.ones.xlane vm6;
	(v2sf) =	vpush v2, $0xF  }
0xa9: {  	vm8 =	vlt.f32 v0, $2.500000000e-01;
	v0, _, _ =	vpop (xrf0);
	(xrf0) =	vmax.scan.msk.u32 $0xffff, v54  }
0xaa: {  	v2 =	vxor.u32 $0x80000000, v55;
	v56 =	vmpcnt.ones.xlane vm8;
	(v2sf) =	vpush v0, $0xF  }
0xab: {  	v0, _, _ =	vpop (xrf0);
	(xrf0) =	vmax.scan.msk.u32 $0xffff, v2  }
0xac: {  	v2 =	vxor.u32 $0x80000000, v56;
	(v2sf) =	vpush v0, $0xF  }
0xad: {  	v0, _, _ =	vpop (xrf0);
	(xrf0) =	vmax.scan.msk.u32 $0xffff, v2  }
0xae: {  	(v2sf) =	vpush v0, $0xF  }
0xaf: {  	v0, _, _ =	vpop (xrf0)  }
0xb0: {  	(v2sf) =	vpush v0, $0xF  }
0xb1: {  	v0, _, _ =	vpop (xrf0)  }
0xb2: {  	(v2sf) =	vpush v0, $0xF  }
0xb3: {  	v0, _, _ =	vpop (xrf0)  }
0xb4: {  	s18 =	sadd.s32 s25, s24;
	(v2sf) =	vpush v0, $0xF  }
0xb5: {  	s18 =	sadd.s32 $0x80000000, s18;
	s19 =	spop (v2sf)  }
0xb6: {  	s19 =	sadd.s32 s19, s18  }
0xb7: {  	s19 =	sadd.s32 $0x80000000, s19;
	s21 =	spop (v2sf)  }
0xb8: {  	s21 =	sadd.s32 s21, s19  }
0xb9: {  	s21 =	sadd.s32 $0x80000000, s21;
	s22 =	spop (v2sf)  }
0xba: {  	s22 =	sadd.s32 s22, s21  }
0xbb: {  	s23 =	spop (v2sf);
	s22 =	sadd.s32 $0x80000000, s22  }
0xbc: {  	s23 =	sadd.s32 s23, s22  }
0xbd: {  	[tilespmem:s24+$0xC080] =	vst.msk vm0, v38;
	v0 =	vmul.f32 v34, v34;
	s23 =	sadd.s32 $0x80000000, s23;
	s24 =	spop (v2sf)  }
0xbe: {  	s25 =	sadd.s32 $0xFFFFFFA0, s20;
	[tilespmem:s18+$0xC080] =	vst.msk vm1, v33;
	s24 =	sadd.s32 s24, s23  }
0xbf: {  	v57 =	vor.u32 s25, v1;
	s18 =	sadd.s32 $0xFFFFFFB0, s20;
	[tilespmem:s19+$0xC080] =	vst.msk vm7, v35;
	v2 =	vmul.f32 v32, v32;
	v0 =	vadd.f32 v0, v36;
	s19 =	sadd.s32 $0x80000000, s24;
	s25 =	spop (v2sf)  }
0xc0: {  	v58 =	vor.u32 s18, v1;
	[tilespmem:s21+$0xC080] =	vst.msk vm2, v57;
	s21 =	sadd.s32 $0xFFFFFFC0, s20;
	s25 =	sadd.s32 s25, s19  }
0xc1: {  	v0 =	vadd.f32 v2, v0;
	v2 =	vor.u32 s21, v1;
	[tilespmem:s22+$0xC080] =	vst.msk vm3, v58;
	s24 =	sadd.s32 $0xFFFFFFD0, s20;
	s21 =	sadd.s32 $0x80000000, s25;
	s25 =	spop (v2sf)  }
0xc2: {  	[tilespmem:s23+$0xC080] =	vst.msk vm4, v2;
	v59 =	vor.u32 s24, v1;
	s24 =	sadd.s32 $0xFFFFFFE0, s20;
	s22 =	sadd.s32 s25, s21  }
0xc3: {  	vm7 =	vlt.f32 v0, $2.500000000e-01;
	v0 =	vor.u32 s24, v1;
	[tilespmem:s19+$0xC080] =	vst.msk vm5, v59;
	s25 =	sadd.s32 $0xFFFFFFF0, s20;
	s23 =	sadd.s32 $0x80000000, s22;
	s24 =	spop (v2sf)  }
0xc4: {  	[tilespmem:s21+$0xC080] =	vst.msk vm6, v0;
	v0 =	vmpcnt.ones.xlane vm7;
	v2 =	vor.u32 s25, v1;
	s25 =	sadd.s32 s24, s23  }
0xc5: {  	v60 =	vor.u32 s20, v1;
	[tilespmem:s23+$0xC080] =	vst.msk vm8, v2;
	s18 =	sadd.s32 $0x80000000, s25  }
0xc6: {  	v0 =	vxor.u32 $0x80000000, v0;
	[tilespmem:s18+$0xC080] =	vst.msk vm7, v60  }
0xc7: {  	(xrf0) =	vmax.scan.msk.u32 $0xffff, v0;
	v0 =	vld [tilespmem:$0xC080];
	_ =	sdelay $0x3  }
0xc8: {  	s20 =	simm.s32 $0x10700  }
0xc9: {  	s21 =	simm.s32 $0x10701;
	[tilespmem:s20+$0x0] =	vst.msk $0x1, v0  }
0xca: {  	s22 =	simm.s32 $0x10702;
	v2, _, _ =	vpop (xrf0);
	[tilespmem:s21+$0x0] =	vst.msk $0x1, v0  }
0xcb: {  	s23 =	simm.s32 $0x10703;
	(v2sf) =	vpush v2, $0xF;
	[tilespmem:s22+$0x0] =	vst.msk $0x1, v0  }
0xcc: {  	s24 =	simm.s32 $0x10704;
	[tilespmem:s23+$0x0] =	vst.msk $0x1, v0  }
0xcd: {  	s25 =	simm.s32 $0x10705;
	[tilespmem:s24+$0x0] =	vst.msk $0x1, v0  }
0xce: {  	s20 =	simm.s32 $0x10706;
	[tilespmem:s25+$0x0] =	vst.msk $0x1, v0  }
0xcf: {  	s21 =	simm.s32 $0x10707;
	[tilespmem:s20+$0x0] =	vst.msk $0x1, v0  }
0xd0: {  	s22 =	simm.s32 $0x10708;
	[tilespmem:s21+$0x0] =	vst.msk $0x1, v0  }
0xd1: {  	[tilespmem:s22+$0x0] =	vst.msk $0x1, v0  }
0xd2: {  	[tilespmem:s26+$0x0] =	vst.msk $0x1, v0  }
0xd3: {  	[tilespmem:s28+$0x0] =	vst.msk $0x1, v0  }
0xd4: {  	[tilespmem:s29+$0x0] =	vst.msk $0x1, v0  }
0xd5: {  	[tilespmem:s30+$0x0] =	vst.msk $0x1, v0  }
0xd6: {  	[tilespmem:s31+$0x0] =	vst.msk $0x1, v0  }
0xd7: {  	[tilespmem:s0+$0x0] =	vst.msk $0x1, v0  }
0xd8: {  	[tilespmem:s1+$0x0] =	vst.msk $0x1, v0  }
0xd9: {  	v32 =	vld [tilespmem:$0x10700]  }
0xda: {  	s23 =	spop (v2sf);
	v0 =	vld [tilespmem:$0xC080]  }
0xdb: {  	s18 =	sadd.s32 s23, s18  }
0xdc: {  	s18 =	sadd.s32 $0x80000000, s18  }
0xdd: {  	v33 =	vmov s18  }
0xde: {  	vm8 =	vgt.s32 v33, v1  }
0xdf: {  	v0 =	vsel vm8, v0, v32;
	_ =	sdelay $0x4  }
0xe0: {  	v2 =	vld.idx.msk [tilespmem:v0+s3+$0x0], $0xffff;
	_ =	sdelay $0x4  }
0xe1: {  	v2 =	vsub.f32 v2, v31;
	_ =	sdelay $0x1  }
0xe2: {  	[tilespmem:$0x10100] =	vst v2  }
0xe3: {  	v2 =	vld.idx.msk [tilespmem:v0+s14+$0x0], $0xffff;
	_ =	sdelay $0x4  }
0xe4: {  	v2 =	vsub.f32 v2, v30;
	_ =	sdelay $0x1  }
0xe5: {  	[tilespmem:$0x10300] =	vst v2;
	v2 =	vld [tilespmem:$0x1FFF0]  }
0xe6: {  	v61 =	vld [tilespmem:$0xC090];
	_ =	sdelay $0x1  }
0xe7: {  	v0 =	vld.idx.msk [tilespmem:v0+s15+$0x0], $0xffff;
	_ =	sdelay $0x1  }
0xe8: {  	vm9 =	vgt.s32 v33, v2  }
0xe9: {  	v2 =	vsel vm9, v61, v32;
	_ =	sdelay $0x1  }
0xea: {  	v0 =	vsub.f32 v0, v29;
	_ =	sdelay $0x1  }
0xeb: {  	[tilespmem:$0x10500] =	vst v0  }
0xec: {  	v0 =	vld.idx.msk [tilespmem:v2+s3+$0x0], $0xffff;
	_ =	sdelay $0x4  }
0xed: {  	v0 =	vsub.f32 v0, v31;
	_ =	sdelay $0x1  }
0xee: {  	[tilespmem:$0x10110] =	vst v0  }
0xef: {  	v0 =	vld.idx.msk [tilespmem:v2+s14+$0x0], $0xffff;
	_ =	sdelay $0x4  }
0xf0: {  	v0 =	vsub.f32 v0, v30  }
0xf1: {  	v62 =	vld [tilespmem:$0xC0A0]  }
0xf2: {  	[tilespmem:$0x10310] =	vst v0  }
0xf3: {  	v0 =	vld.idx.msk [tilespmem:v2+s15+$0x0], $0xffff;
	_ =	sdelay $0x1  }
0xf4: {  	vm10 =	vgt.s32 v33, v3  }
0xf5: {  	v2 =	vsel vm10, v62, v32;
	_ =	sdelay $0x1  }
0xf6: {  	v0 =	vsub.f32 v0, v29;
	_ =	sdelay $0x1  }
0xf7: {  	[tilespmem:$0x10510] =	vst v0  }
0xf8: {  	v0 =	vld.idx.msk [tilespmem:v2+s3+$0x0], $0xffff;
	_ =	sdelay $0x4  }
0xf9: {  	v0 =	vsub.f32 v0, v31;
	_ =	sdelay $0x1  }
0xfa: {  	[tilespmem:$0x10120] =	vst v0  }
0xfb: {  	v0 =	vld.idx.msk [tilespmem:v2+s14+$0x0], $0xffff;
	_ =	sdelay $0x4  }
0xfc: {  	v0 =	vsub.f32 v0, v30  }
0xfd: {  	v63 =	vld [tilespmem:$0xC0B0]  }
0xfe: {  	[tilespmem:$0x10320] =	vst v0  }
0xff: {  	v0 =	vld.idx.msk [tilespmem:v2+s15+$0x0], $0xffff;
	_ =	sdelay $0x1  }
0x100: {  	vm11 =	vgt.s32 v33, v4  }
0x101: {  	v2 =	vsel vm11, v63, v32;
	_ =	sdelay $0x1  }
0x102: {  	v0 =	vsub.f32 v0, v29;
	_ =	sdelay $0x1  }
0x103: {  	[tilespmem:$0x10520] =	vst v0  }
0x104: {  	v0 =	vld.idx.msk [tilespmem:v2+s3+$0x0], $0xffff;
	_ =	sdelay $0x4  }
0x105: {  	v0 =	vsub.f32 v0, v31;
	_ =	sdelay $0x1  }
0x106: {  	[tilespmem:$0x10130] =	vst v0  }
0x107: {  	v0 =	vld.idx.msk [tilespmem:v2+s14+$0x0], $0xffff;
	_ =	sdelay $0x4  }
0x108: {  	v0 =	vsub.f32 v0, v30  }
0x109: {  	v36 =	vld [tilespmem:$0xC0C0]  }
0x10a: {  	[tilespmem:$0x10330] =	vst v0  }
0x10b: {  	v0 =	vld.idx.msk [tilespmem:v2+s15+$0x0], $0xffff;
	_ =	sdelay $0x1  }
0x10c: {  	vm12 =	vgt.s32 v33, v5  }
0x10d: {  	v2 =	vsel vm12, v36, v32;
	_ =	sdelay $0x1  }
0x10e: {  	v0 =	vsub.f32 v0, v29;
	_ =	sdelay $0x1  }
0x10f: {  	[tilespmem:$0x10530] =	vst v0  }
0x110: {  	v0 =	vld.idx.msk [tilespmem:v2+s3+$0x0], $0xffff;
	_ =	sdelay $0x4  }
0x111: {  	v0 =	vsub.f32 v0, v31;
	_ =	sdelay $0x1  }
0x112: {  	[tilespmem:$0x10140] =	vst v0  }
0x113: {  	v0 =	vld.idx.msk [tilespmem:v2+s14+$0x0], $0xffff;
	_ =	sdelay $0x4  }
0x114: {  	v0 =	vsub.f32 v0, v30  }
0x115: {  	v37 =	vld [tilespmem:$0xC0D0]  }
0x116: {  	[tilespmem:$0x10340] =	vst v0  }
0x117: {  	v0 =	vld.idx.msk [tilespmem:v2+s15+$0x0], $0xffff;
	_ =	sdelay $0x1  }
0x118: {  	vm13 =	vgt.s32 v33, v6  }
0x119: {  	v2 =	vsel vm13, v37, v32;
	_ =	sdelay $0x1  }
0x11a: {  	v0 =	vsub.f32 v0, v29;
	_ =	sdelay $0x1  }
0x11b: {  	[tilespmem:$0x10540] =	vst v0  }
0x11c: {  	v0 =	vld.idx.msk [tilespmem:v2+s3+$0x0], $0xffff;
	_ =	sdelay $0x4  }
0x11d: {  	v0 =	vsub.f32 v0, v31;
	_ =	sdelay $0x1  }
0x11e: {  	[tilespmem:$0x10150] =	vst v0  }
0x11f: {  	v0 =	vld.idx.msk [tilespmem:v2+s14+$0x0], $0xffff;
	_ =	sdelay $0x4  }
0x120: {  	v0 =	vsub.f32 v0, v30  }
0x121: {  	v38 =	vld [tilespmem:$0xC0E0]  }
0x122: {  	[tilespmem:$0x10350] =	vst v0  }
0x123: {  	v0 =	vld.idx.msk [tilespmem:v2+s15+$0x0], $0xffff;
	_ =	sdelay $0x1  }
0x124: {  	vm14 =	vgt.s32 v33, v7  }
0x125: {  	v2 =	vsel vm14, v38, v32;
	_ =	sdelay $0x1  }
0x126: {  	v0 =	vsub.f32 v0, v29;
	_ =	sdelay $0x1  }
0x127: {  	[tilespmem:$0x10550] =	vst v0  }
0x128: {  	v0 =	vld.idx.msk [tilespmem:v2+s3+$0x0], $0xffff;
	_ =	sdelay $0x4  }
0x129: {  	v0 =	vsub.f32 v0, v31;
	_ =	sdelay $0x1  }
0x12a: {  	[tilespmem:$0x10160] =	vst v0  }
0x12b: {  	v0 =	vld.idx.msk [tilespmem:v2+s14+$0x0], $0xffff;
	_ =	sdelay $0x4  }
0x12c: {  	v0 =	vsub.f32 v0, v30  }
0x12d: {  	v39 =	vld [tilespmem:$0xC0F0]  }
0x12e: {  	[tilespmem:$0x10360] =	vst v0  }
0x12f: {  	v0 =	vld.idx.msk [tilespmem:v2+s15+$0x0], $0xffff;
	_ =	sdelay $0x1  }
0x130: {  	vm15 =	vgt.s32 v33, v8  }
0x131: {  	v2 =	vsel vm15, v39, v32;
	_ =	sdelay $0x1  }
0x132: {  	v0 =	vsub.f32 v0, v29;
	_ =	sdelay $0x1  }
0x133: {  	[tilespmem:$0x10560] =	vst v0  }
0x134: {  	v0 =	vld.idx.msk [tilespmem:v2+s3+$0x0], $0xffff;
	_ =	sdelay $0x4  }
0x135: {  	v0 =	vsub.f32 v0, v31;
	_ =	sdelay $0x1  }
0x136: {  	[tilespmem:$0x10170] =	vst v0  }
0x137: {  	v0 =	vld.idx.msk [tilespmem:v2+s14+$0x0], $0xffff;
	_ =	sdelay $0x4  }
0x138: {  	v0 =	vsub.f32 v0, v30  }
0x139: {  	v40 =	vld [tilespmem:$0xC100]  }
0x13a: {  	[tilespmem:$0x10370] =	vst v0  }
0x13b: {  	v0 =	vld.idx.msk [tilespmem:v2+s15+$0x0], $0xffff;
	_ =	sdelay $0x1  }
0x13c: {  	vm4 =	vgt.s32 v33, v9  }
0x13d: {  	v2 =	vsel vm4, v40, v32;
	_ =	sdelay $0x1  }
0x13e: {  	v0 =	vsub.f32 v0, v29;
	_ =	sdelay $0x1  }
0x13f: {  	[tilespmem:$0x10570] =	vst v0  }
0x140: {  	v0 =	vld.idx.msk [tilespmem:v2+s3+$0x0], $0xffff;
	_ =	sdelay $0x4  }
0x141: {  	v0 =	vsub.f32 v0, v31;
	_ =	sdelay $0x1  }
0x142: {  	[tilespmem:$0x10180] =	vst v0  }
0x143: {  	v0 =	vld.idx.msk [tilespmem:v2+s14+$0x0], $0xffff;
	_ =	sdelay $0x4  }
0x144: {  	v0 =	vsub.f32 v0, v30  }
0x145: {  	v41 =	vld [tilespmem:$0xC110]  }
0x146: {  	[tilespmem:$0x10380] =	vst v0  }
0x147: {  	v0 =	vld.idx.msk [tilespmem:v2+s15+$0x0], $0xffff;
	_ =	sdelay $0x1  }
0x148: {  	vm5 =	vgt.s32 v33, v10  }
0x149: {  	v2 =	vsel vm5, v41, v32;
	_ =	sdelay $0x1  }
0x14a: {  	v0 =	vsub.f32 v0, v29;
	_ =	sdelay $0x1  }
0x14b: {  	[tilespmem:$0x10580] =	vst v0  }
0x14c: {  	v0 =	vld.idx.msk [tilespmem:v2+s3+$0x0], $0xffff;
	_ =	sdelay $0x4  }
0x14d: {  	v0 =	vsub.f32 v0, v31;
	_ =	sdelay $0x1  }
0x14e: {  	[tilespmem:$0x10190] =	vst v0  }
0x14f: {  	v0 =	vld.idx.msk [tilespmem:v2+s14+$0x0], $0xffff;
	_ =	sdelay $0x4  }
0x150: {  	v0 =	vsub.f32 v0, v30  }
0x151: {  	v42 =	vld [tilespmem:$0xC120]  }
0x152: {  	[tilespmem:$0x10390] =	vst v0  }
0x153: {  	v0 =	vld.idx.msk [tilespmem:v2+s15+$0x0], $0xffff;
	_ =	sdelay $0x1  }
0x154: {  	vm6 =	vgt.s32 v33, v11  }
0x155: {  	v2 =	vsel vm6, v42, v32;
	_ =	sdelay $0x1  }
0x156: {  	v0 =	vsub.f32 v0, v29;
	_ =	sdelay $0x1  }
0x157: {  	[tilespmem:$0x10590] =	vst v0  }
0x158: {  	v0 =	vld.idx.msk [tilespmem:v2+s3+$0x0], $0xffff;
	_ =	sdelay $0x4  }
0x159: {  	v0 =	vsub.f32 v0, v31;
	_ =	sdelay $0x1  }
0x15a: {  	[tilespmem:$0x101A0] =	vst v0  }
0x15b: {  	v0 =	vld.idx.msk [tilespmem:v2+s14+$0x0], $0xffff;
	_ =	sdelay $0x4  }
0x15c: {  	v0 =	vsub.f32 v0, v30  }
0x15d: {  	v43 =	vld [tilespmem:$0xC130]  }
0x15e: {  	[tilespmem:$0x103A0] =	vst v0  }
0x15f: {  	v0 =	vld.idx.msk [tilespmem:v2+s15+$0x0], $0xffff;
	_ =	sdelay $0x1  }
0x160: {  	vm7 =	vgt.s32 v33, v12  }
0x161: {  	v2 =	vsel vm7, v43, v32;
	_ =	sdelay $0x1  }
0x162: {  	v0 =	vsub.f32 v0, v29;
	_ =	sdelay $0x1  }
0x163: {  	[tilespmem:$0x105A0] =	vst v0  }
0x164: {  	v0 =	vld.idx.msk [tilespmem:v2+s3+$0x0], $0xffff;
	_ =	sdelay $0x4  }
0x165: {  	v0 =	vsub.f32 v0, v31;
	_ =	sdelay $0x1  }
0x166: {  	[tilespmem:$0x101B0] =	vst v0  }
0x167: {  	v0 =	vld.idx.msk [tilespmem:v2+s14+$0x0], $0xffff;
	_ =	sdelay $0x4  }
0x168: {  	v0 =	vsub.f32 v0, v30  }
0x169: {  	v44 =	vld [tilespmem:$0xC140]  }
0x16a: {  	[tilespmem:$0x103B0] =	vst v0  }
0x16b: {  	v0 =	vld.idx.msk [tilespmem:v2+s15+$0x0], $0xffff;
	_ =	sdelay $0x1  }
0x16c: {  	vm8 =	vgt.s32 v33, v13  }
0x16d: {  	v2 =	vsel vm8, v44, v32;
	_ =	sdelay $0x1  }
0x16e: {  	v0 =	vsub.f32 v0, v29;
	_ =	sdelay $0x1  }
0x16f: {  	[tilespmem:$0x105B0] =	vst v0  }
0x170: {  	v0 =	vld.idx.msk [tilespmem:v2+s3+$0x0], $0xffff;
	_ =	sdelay $0x4  }
0x171: {  	v0 =	vsub.f32 v0, v31;
	_ =	sdelay $0x1  }
0x172: {  	[tilespmem:$0x101C0] =	vst v0  }
0x173: {  	v0 =	vld.idx.msk [tilespmem:v2+s14+$0x0], $0xffff;
	_ =	sdelay $0x4  }
0x174: {  	v0 =	vsub.f32 v0, v30  }
0x175: {  	v45 =	vld [tilespmem:$0xC150]  }
0x176: {  	[tilespmem:$0x103C0] =	vst v0  }
0x177: {  	v0 =	vld.idx.msk [tilespmem:v2+s15+$0x0], $0xffff;
	_ =	sdelay $0x1  }
0x178: {  	vm9 =	vgt.s32 v33, v14  }
0x179: {  	v2 =	vsel vm9, v45, v32;
	_ =	sdelay $0x1  }
0x17a: {  	v0 =	vsub.f32 v0, v29;
	_ =	sdelay $0x1  }
0x17b: {  	[tilespmem:$0x105C0] =	vst v0  }
0x17c: {  	v0 =	vld.idx.msk [tilespmem:v2+s3+$0x0], $0xffff;
	_ =	sdelay $0x4  }
0x17d: {  	v0 =	vsub.f32 v0, v31;
	_ =	sdelay $0x1  }
0x17e: {  	[tilespmem:$0x101D0] =	vst v0  }
0x17f: {  	v0 =	vld.idx.msk [tilespmem:v2+s14+$0x0], $0xffff;
	_ =	sdelay $0x4  }
0x180: {  	v0 =	vsub.f32 v0, v30  }
0x181: {  	v46 =	vld [tilespmem:$0xC160]  }
0x182: {  	[tilespmem:$0x103D0] =	vst v0  }
0x183: {  	v0 =	vld.idx.msk [tilespmem:v2+s15+$0x0], $0xffff;
	_ =	sdelay $0x1  }
0x184: {  	vm10 =	vgt.s32 v33, v15  }
0x185: {  	v2 =	vsel vm10, v46, v32;
	_ =	sdelay $0x1  }
0x186: {  	v0 =	vsub.f32 v0, v29;
	_ =	sdelay $0x1  }
0x187: {  	[tilespmem:$0x105D0] =	vst v0  }
0x188: {  	v0 =	vld.idx.msk [tilespmem:v2+s3+$0x0], $0xffff;
	_ =	sdelay $0x4  }
0x189: {  	v0 =	vsub.f32 v0, v31;
	_ =	sdelay $0x1  }
0x18a: {  	[tilespmem:$0x101E0] =	vst v0  }
0x18b: {  	v0 =	vld.idx.msk [tilespmem:v2+s14+$0x0], $0xffff;
	_ =	sdelay $0x4  }
0x18c: {  	v0 =	vsub.f32 v0, v30  }
0x18d: {  	v47 =	vld [tilespmem:$0xC170]  }
0x18e: {  	[tilespmem:$0x103E0] =	vst v0  }
0x18f: {  	v0 =	vld.idx.msk [tilespmem:v2+s15+$0x0], $0xffff;
	_ =	sdelay $0x1  }
0x190: {  	vm11 =	vgt.s32 v33, v16  }
0x191: {  	v2 =	vsel vm11, v47, v32;
	_ =	sdelay $0x1  }
0x192: {  	v0 =	vsub.f32 v0, v29;
	_ =	sdelay $0x1  }
0x193: {  	[tilespmem:$0x105E0] =	vst v0  }
0x194: {  	v0 =	vld.idx.msk [tilespmem:v2+s3+$0x0], $0xffff;
	_ =	sdelay $0x4  }
0x195: {  	v0 =	vsub.f32 v0, v31;
	_ =	sdelay $0x1  }
0x196: {  	[tilespmem:$0x101F0] =	vst v0  }
0x197: {  	v0 =	vld.idx.msk [tilespmem:v2+s14+$0x0], $0xffff;
	_ =	sdelay $0x4  }
0x198: {  	v0 =	vsub.f32 v0, v30  }
0x199: {  	v48 =	vld [tilespmem:$0xC180]  }
0x19a: {  	[tilespmem:$0x103F0] =	vst v0  }
0x19b: {  	v0 =	vld.idx.msk [tilespmem:v2+s15+$0x0], $0xffff;
	_ =	sdelay $0x1  }
0x19c: {  	vm12 =	vgt.s32 v33, v17  }
0x19d: {  	v2 =	vsel vm12, v48, v32;
	_ =	sdelay $0x1  }
0x19e: {  	v0 =	vsub.f32 v0, v29;
	_ =	sdelay $0x1  }
0x19f: {  	[tilespmem:$0x105F0] =	vst v0  }
0x1a0: {  	v0 =	vld.idx.msk [tilespmem:v2+s3+$0x0], $0xffff;
	_ =	sdelay $0x4  }
0x1a1: {  	v0 =	vsub.f32 v0, v31;
	_ =	sdelay $0x1  }
0x1a2: {  	[tilespmem:$0x10200] =	vst v0  }
0x1a3: {  	v0 =	vld.idx.msk [tilespmem:v2+s14+$0x0], $0xffff;
	_ =	sdelay $0x4  }
0x1a4: {  	v0 =	vsub.f32 v0, v30  }
0x1a5: {  	v49 =	vld [tilespmem:$0xC190]  }
0x1a6: {  	[tilespmem:$0x10400] =	vst v0  }
0x1a7: {  	v0 =	vld.idx.msk [tilespmem:v2+s15+$0x0], $0xffff;
	_ =	sdelay $0x1  }
0x1a8: {  	vm13 =	vgt.s32 v33, v18  }
0x1a9: {  	v2 =	vsel vm13, v49, v32;
	_ =	sdelay $0x1  }
0x1aa: {  	v0 =	vsub.f32 v0, v29;
	_ =	sdelay $0x1  }
0x1ab: {  	[tilespmem:$0x10600] =	vst v0  }
0x1ac: {  	v0 =	vld.idx.msk [tilespmem:v2+s3+$0x0], $0xffff;
	_ =	sdelay $0x4  }
0x1ad: {  	v0 =	vsub.f32 v0, v31;
	_ =	sdelay $0x1  }
0x1ae: {  	[tilespmem:$0x10210] =	vst v0  }
0x1af: {  	v0 =	vld.idx.msk [tilespmem:v2+s14+$0x0], $0xffff;
	_ =	sdelay $0x4  }
0x1b0: {  	v0 =	vsub.f32 v0, v30  }
0x1b1: {  	v50 =	vld [tilespmem:$0xC1A0]  }
0x1b2: {  	[tilespmem:$0x10410] =	vst v0  }
0x1b3: {  	v0 =	vld.idx.msk [tilespmem:v2+s15+$0x0], $0xffff;
	_ =	sdelay $0x1  }
0x1b4: {  	vm14 =	vgt.s32 v33, v19  }
0x1b5: {  	v2 =	vsel vm14, v50, v32;
	_ =	sdelay $0x1  }
0x1b6: {  	v0 =	vsub.f32 v0, v29;
	_ =	sdelay $0x1  }
0x1b7: {  	[tilespmem:$0x10610] =	vst v0  }
0x1b8: {  	v0 =	vld.idx.msk [tilespmem:v2+s3+$0x0], $0xffff;
	_ =	sdelay $0x4  }
0x1b9: {  	v0 =	vsub.f32 v0, v31;
	_ =	sdelay $0x1  }
0x1ba: {  	[tilespmem:$0x10220] =	vst v0  }
0x1bb: {  	v0 =	vld.idx.msk [tilespmem:v2+s14+$0x0], $0xffff;
	_ =	sdelay $0x4  }
0x1bc: {  	v0 =	vsub.f32 v0, v30  }
0x1bd: {  	v51 =	vld [tilespmem:$0xC1B0]  }
0x1be: {  	[tilespmem:$0x10420] =	vst v0  }
0x1bf: {  	v0 =	vld.idx.msk [tilespmem:v2+s15+$0x0], $0xffff;
	_ =	sdelay $0x1  }
0x1c0: {  	vm15 =	vgt.s32 v33, v20  }
0x1c1: {  	v2 =	vsel vm15, v51, v32;
	_ =	sdelay $0x1  }
0x1c2: {  	v0 =	vsub.f32 v0, v29;
	_ =	sdelay $0x1  }
0x1c3: {  	[tilespmem:$0x10620] =	vst v0  }
0x1c4: {  	v0 =	vld.idx.msk [tilespmem:v2+s3+$0x0], $0xffff;
	_ =	sdelay $0x4  }
0x1c5: {  	v0 =	vsub.f32 v0, v31;
	_ =	sdelay $0x1  }
0x1c6: {  	[tilespmem:$0x10230] =	vst v0  }
0x1c7: {  	v0 =	vld.idx.msk [tilespmem:v2+s14+$0x0], $0xffff;
	_ =	sdelay $0x4  }
0x1c8: {  	v0 =	vsub.f32 v0, v30  }
0x1c9: {  	v52 =	vld [tilespmem:$0xC1C0]  }
0x1ca: {  	[tilespmem:$0x10430] =	vst v0  }
0x1cb: {  	v0 =	vld.idx.msk [tilespmem:v2+s15+$0x0], $0xffff;
	_ =	sdelay $0x1  }
0x1cc: {  	vm4 =	vgt.s32 v33, v21  }
0x1cd: {  	v2 =	vsel vm4, v52, v32;
	_ =	sdelay $0x1  }
0x1ce: {  	v0 =	vsub.f32 v0, v29;
	_ =	sdelay $0x1  }
0x1cf: {  	[tilespmem:$0x10630] =	vst v0  }
0x1d0: {  	v0 =	vld.idx.msk [tilespmem:v2+s3+$0x0], $0xffff;
	_ =	sdelay $0x4  }
0x1d1: {  	v0 =	vsub.f32 v0, v31;
	_ =	sdelay $0x1  }
0x1d2: {  	[tilespmem:$0x10240] =	vst v0  }
0x1d3: {  	v0 =	vld.idx.msk [tilespmem:v2+s14+$0x0], $0xffff;
	_ =	sdelay $0x4  }
0x1d4: {  	v0 =	vsub.f32 v0, v30  }
0x1d5: {  	v53 =	vld [tilespmem:$0xC1D0]  }
0x1d6: {  	[tilespmem:$0x10440] =	vst v0  }
0x1d7: {  	v0 =	vld.idx.msk [tilespmem:v2+s15+$0x0], $0xffff;
	_ =	sdelay $0x1  }
0x1d8: {  	vm5 =	vgt.s32 v33, v22  }
0x1d9: {  	v2 =	vsel vm5, v53, v32;
	_ =	sdelay $0x1  }
0x1da: {  	v0 =	vsub.f32 v0, v29;
	_ =	sdelay $0x1  }
0x1db: {  	[tilespmem:$0x10640] =	vst v0  }
0x1dc: {  	v0 =	vld.idx.msk [tilespmem:v2+s3+$0x0], $0xffff;
	_ =	sdelay $0x4  }
0x1dd: {  	v0 =	vsub.f32 v0, v31;
	_ =	sdelay $0x1  }
0x1de: {  	[tilespmem:$0x10250] =	vst v0  }
0x1df: {  	v0 =	vld.idx.msk [tilespmem:v2+s14+$0x0], $0xffff;
	_ =	sdelay $0x4  }
0x1e0: {  	v0 =	vsub.f32 v0, v30  }
0x1e1: {  	v54 =	vld [tilespmem:$0xC1E0]  }
0x1e2: {  	[tilespmem:$0x10450] =	vst v0  }
0x1e3: {  	v0 =	vld.idx.msk [tilespmem:v2+s15+$0x0], $0xffff;
	_ =	sdelay $0x1  }
0x1e4: {  	vm6 =	vgt.s32 v33, v23  }
0x1e5: {  	v2 =	vsel vm6, v54, v32;
	_ =	sdelay $0x1  }
0x1e6: {  	v0 =	vsub.f32 v0, v29;
	_ =	sdelay $0x1  }
0x1e7: {  	[tilespmem:$0x10650] =	vst v0  }
0x1e8: {  	v0 =	vld.idx.msk [tilespmem:v2+s3+$0x0], $0xffff;
	_ =	sdelay $0x4  }
0x1e9: {  	v0 =	vsub.f32 v0, v31;
	_ =	sdelay $0x1  }
0x1ea: {  	[tilespmem:$0x10260] =	vst v0  }
0x1eb: {  	v0 =	vld.idx.msk [tilespmem:v2+s14+$0x0], $0xffff;
	_ =	sdelay $0x4  }
0x1ec: {  	v0 =	vsub.f32 v0, v30  }
0x1ed: {  	v55 =	vld [tilespmem:$0xC1F0]  }
0x1ee: {  	[tilespmem:$0x10460] =	vst v0  }
0x1ef: {  	v0 =	vld.idx.msk [tilespmem:v2+s15+$0x0], $0xffff;
	_ =	sdelay $0x1  }
0x1f0: {  	vm7 =	vgt.s32 v33, v24  }
0x1f1: {  	v2 =	vsel vm7, v55, v32;
	_ =	sdelay $0x1  }
0x1f2: {  	v0 =	vsub.f32 v0, v29;
	_ =	sdelay $0x1  }
0x1f3: {  	[tilespmem:$0x10660] =	vst v0  }
0x1f4: {  	v0 =	vld.idx.msk [tilespmem:v2+s3+$0x0], $0xffff;
	_ =	sdelay $0x4  }
0x1f5: {  	v0 =	vsub.f32 v0, v31;
	_ =	sdelay $0x1  }
0x1f6: {  	[tilespmem:$0x10270] =	vst v0  }
0x1f7: {  	v0 =	vld.idx.msk [tilespmem:v2+s14+$0x0], $0xffff;
	_ =	sdelay $0x4  }
0x1f8: {  	v0 =	vsub.f32 v0, v30  }
0x1f9: {  	v56 =	vld [tilespmem:$0xC200]  }
0x1fa: {  	[tilespmem:$0x10470] =	vst v0  }
0x1fb: {  	v0 =	vld.idx.msk [tilespmem:v2+s15+$0x0], $0xffff;
	_ =	sdelay $0x1  }
0x1fc: {  	vm8 =	vgt.s32 v33, v25  }
0x1fd: {  	v2 =	vsel vm8, v56, v32;
	_ =	sdelay $0x1  }
0x1fe: {  	v0 =	vsub.f32 v0, v29;
	_ =	sdelay $0x1  }
0x1ff: {  	[tilespmem:$0x10670] =	vst v0  }
0x200: {  	v0 =	vld.idx.msk [tilespmem:v2+s3+$0x0], $0xffff;
	_ =	sdelay $0x4  }
0x201: {  	v0 =	vsub.f32 v0, v31;
	_ =	sdelay $0x1  }
0x202: {  	[tilespmem:$0x10280] =	vst v0  }
0x203: {  	v0 =	vld.idx.msk [tilespmem:v2+s14+$0x0], $0xffff;
	_ =	sdelay $0x4  }
0x204: {  	v0 =	vsub.f32 v0, v30  }
0x205: {  	v57 =	vld [tilespmem:$0xC210]  }
0x206: {  	[tilespmem:$0x10480] =	vst v0  }
0x207: {  	v0 =	vld.idx.msk [tilespmem:v2+s15+$0x0], $0xffff;
	_ =	sdelay $0x1  }
0x208: {  	vm9 =	vgt.s32 v33, v26  }
0x209: {  	v2 =	vsel vm9, v57, v32;
	_ =	sdelay $0x1  }
0x20a: {  	v0 =	vsub.f32 v0, v29;
	_ =	sdelay $0x1  }
0x20b: {  	[tilespmem:$0x10680] =	vst v0  }
0x20c: {  	v0 =	vld.idx.msk [tilespmem:v2+s3+$0x0], $0xffff;
	_ =	sdelay $0x4  }
0x20d: {  	v0 =	vsub.f32 v0, v31;
	_ =	sdelay $0x1  }
0x20e: {  	[tilespmem:$0x10290] =	vst v0  }
0x20f: {  	v0 =	vld.idx.msk [tilespmem:v2+s14+$0x0], $0xffff;
	_ =	sdelay $0x4  }
0x210: {  	v0 =	vsub.f32 v0, v30  }
0x211: {  	v58 =	vld [tilespmem:$0xC220]  }
0x212: {  	[tilespmem:$0x10490] =	vst v0  }
0x213: {  	v0 =	vld.idx.msk [tilespmem:v2+s15+$0x0], $0xffff;
	_ =	sdelay $0x1  }
0x214: {  	vm10 =	vgt.s32 v33, v27  }
0x215: {  	v2 =	vsel vm10, v58, v32;
	_ =	sdelay $0x1  }
0x216: {  	v0 =	vsub.f32 v0, v29;
	_ =	sdelay $0x1  }
0x217: {  	[tilespmem:$0x10690] =	vst v0  }
0x218: {  	v0 =	vld.idx.msk [tilespmem:v2+s3+$0x0], $0xffff;
	_ =	sdelay $0x4  }
0x219: {  	v0 =	vsub.f32 v0, v31;
	_ =	sdelay $0x1  }
0x21a: {  	[tilespmem:$0x102A0] =	vst v0  }
0x21b: {  	v0 =	vld.idx.msk [tilespmem:v2+s14+$0x0], $0xffff;
	_ =	sdelay $0x4  }
0x21c: {  	v0 =	vsub.f32 v0, v30  }
0x21d: {  	v59 =	vld [tilespmem:$0xC230]  }
0x21e: {  	[tilespmem:$0x104A0] =	vst v0  }
0x21f: {  	v0 =	vld.idx.msk [tilespmem:v2+s15+$0x0], $0xffff;
	_ =	sdelay $0x1  }
0x220: {  	vm11 =	vgt.s32 v33, v28  }
0x221: {  	v2 =	vsel vm11, v59, v32;
	_ =	sdelay $0x1  }
0x222: {  	v0 =	vsub.f32 v0, v29;
	_ =	sdelay $0x1  }
0x223: {  	[tilespmem:$0x106A0] =	vst v0  }
0x224: {  	v0 =	vld.idx.msk [tilespmem:v2+s3+$0x0], $0xffff;
	_ =	sdelay $0x4  }
0x225: {  	v0 =	vsub.f32 v0, v31;
	_ =	sdelay $0x1  }
0x226: {  	[tilespmem:$0x102B0] =	vst v0  }
0x227: {  	v0 =	vld.idx.msk [tilespmem:v2+s14+$0x0], $0xffff;
	_ =	sdelay $0x4  }
0x228: {  	v0 =	vsub.f32 v0, v30  }
0x229: {  	v60 =	vld [tilespmem:$0xC240]  }
0x22a: {  	[tilespmem:$0x104B0] =	vst v0  }
0x22b: {  	v0 =	vld.idx.msk [tilespmem:v2+s15+$0x0], $0xffff  }
0x22c: {  	v2 =	vor.u32 $0x1C0, v1  }
0x22d: {  	vm12 =	vgt.s32 v33, v2  }
0x22e: {  	v2 =	vsel vm12, v60, v32;
	_ =	sdelay $0x1  }
0x22f: {  	v0 =	vsub.f32 v0, v29;
	_ =	sdelay $0x1  }
0x230: {  	[tilespmem:$0x106B0] =	vst v0  }
0x231: {  	v0 =	vld.idx.msk [tilespmem:v2+s3+$0x0], $0xffff;
	_ =	sdelay $0x4  }
0x232: {  	v0 =	vsub.f32 v0, v31;
	_ =	sdelay $0x1  }
0x233: {  	[tilespmem:$0x102C0] =	vst v0  }
0x234: {  	v0 =	vld.idx.msk [tilespmem:v2+s14+$0x0], $0xffff;
	_ =	sdelay $0x4  }
0x235: {  	v0 =	vsub.f32 v0, v30  }
0x236: {  	v61 =	vld [tilespmem:$0xC250]  }
0x237: {  	[tilespmem:$0x104C0] =	vst v0  }
0x238: {  	v0 =	vld.idx.msk [tilespmem:v2+s15+$0x0], $0xffff  }
0x239: {  	v2 =	vor.u32 $0x1D0, v1  }
0x23a: {  	vm13 =	vgt.s32 v33, v2  }
0x23b: {  	v2 =	vsel vm13, v61, v32;
	_ =	sdelay $0x1  }
0x23c: {  	v0 =	vsub.f32 v0, v29;
	_ =	sdelay $0x1  }
0x23d: {  	[tilespmem:$0x106C0] =	vst v0  }
0x23e: {  	v0 =	vld.idx.msk [tilespmem:v2+s3+$0x0], $0xffff;
	_ =	sdelay $0x4  }
0x23f: {  	v0 =	vsub.f32 v0, v31;
	_ =	sdelay $0x1  }
0x240: {  	[tilespmem:$0x102D0] =	vst v0  }
0x241: {  	v0 =	vld.idx.msk [tilespmem:v2+s14+$0x0], $0xffff;
	_ =	sdelay $0x4  }
0x242: {  	v0 =	vsub.f32 v0, v30  }
0x243: {  	v62 =	vld [tilespmem:$0xC260]  }
0x244: {  	[tilespmem:$0x104D0] =	vst v0  }
0x245: {  	v0 =	vld.idx.msk [tilespmem:v2+s15+$0x0], $0xffff  }
0x246: {  	v2 =	vor.u32 $0x1E0, v1  }
0x247: {  	vm14 =	vgt.s32 v33, v2  }
0x248: {  	v2 =	vsel vm14, v62, v32;
	_ =	sdelay $0x1  }
0x249: {  	v0 =	vsub.f32 v0, v29;
	_ =	sdelay $0x1  }
0x24a: {  	[tilespmem:$0x106D0] =	vst v0  }
0x24b: {  	v0 =	vld.idx.msk [tilespmem:v2+s3+$0x0], $0xffff;
	_ =	sdelay $0x4  }
0x24c: {  	v0 =	vsub.f32 v0, v31;
	_ =	sdelay $0x1  }
0x24d: {  	[tilespmem:$0x102E0] =	vst v0  }
0x24e: {  	v0 =	vld.idx.msk [tilespmem:v2+s14+$0x0], $0xffff;
	_ =	sdelay $0x4  }
0x24f: {  	v0 =	vsub.f32 v0, v30  }
0x250: {  	v63 =	vld [tilespmem:$0xC270]  }
0x251: {  	[tilespmem:$0x104E0] =	vst v0  }
0x252: {  	v0 =	vld.idx.msk [tilespmem:v2+s15+$0x0], $0xffff  }
0x253: {  	v2 =	vor.u32 $0x1F0, v1  }
0x254: {  	vm15 =	vgt.s32 v33, v2  }
0x255: {  	v2 =	vsel vm15, v63, v32;
	_ =	sdelay $0x1  }
0x256: {  	v0 =	vsub.f32 v0, v29;
	_ =	sdelay $0x1  }
0x257: {  	[tilespmem:$0x106E0] =	vst v0  }
0x258: {  	v0 =	vld.idx.msk [tilespmem:v2+s3+$0x0], $0xffff;
	_ =	sdelay $0x4  }
0x259: {  	v0 =	vsub.f32 v0, v31;
	_ =	sdelay $0x1  }
0x25a: {  	[tilespmem:$0x102F0] =	vst v0  }
0x25b: {  	v0 =	vld.idx.msk [tilespmem:v2+s14+$0x0], $0xffff;
	_ =	sdelay $0x4  }
0x25c: {  	v0 =	vsub.f32 v0, v30;
	_ =	sdelay $0x1  }
0x25d: {  	[tilespmem:$0x104F0] =	vst v0  }
0x25e: {  	v0 =	vld.idx.msk [tilespmem:v2+s15+$0x0], $0xffff;
	_ =	sdelay $0x4  }
0x25f: {  	s17 =	sadd.s32 s9, s17;
	v0 =	vsub.f32 v0, v29  }
0x260: {  	s17 =	sshll.u32 s17, $0x6  }
0x261: {  	s24 =	sadd.s32 s4, s17;
	[tilespmem:$0x106F0] =	vst v0  }
0x262: {  	[hbm4b:s24+s3] =	stream.linear.scatter [tilespmem:s2], [sflag:$0x2], $0x200, $0x38;
	[tilespmem:$0x10780] =	vst v63  }
0x263: {  	_ =	swait.ge [sflag:s5], $0x200  }
0x264: {  	[sflag:s5] =	ssyncset.done $0x0  }
0x265: {  	s25 =	sadd.s32 s17, s10;
	[sflag:s5] =	ssyncadd.s32 $0xFFFFFE00  }
0x266: {  	[hbm4b:s25+s3] =	stream.linear.scatter [tilespmem:s6], [sflag:$0x2], $0x200, $0x38;
	[tilespmem:$0x10780] =	vst v63  }
0x267: {  	_ =	swait.ge [sflag:s5], $0x200  }
0x268: {  	[sflag:s5] =	ssyncset.done $0x0  }
.Ltmp6:
0x269: {  	s17 =	sadd.s32 s17, s11;
	[sflag:s5] =	ssyncadd.s32 $0xFFFFFE00;
	(pc) =	sbr.rel .LBB2_6-.Ltmp6, $4  }
0x26a: {  	[hbm4b:s17+s3] =	stream.linear.scatter [tilespmem:s8], [sflag:$0x1], $0x200, $0x38;
	[tilespmem:$0x10780] =	vst v63  }
0x26b: {  	_ =	swait.ge [sflag:s13], $0x200  }
0x26c: {  	[sflag:s13] =	ssyncset.done $0x0  }
0x26d: {  	[sflag:s13] =	ssyncadd.s32 $0xFFFFFE00  }
.LBB2_8:
0x26e: {  	_ =	sfence.sel $0x180000  }
0x26f: {  	[bflag:$0x0] =	sbarrier.arrive $0xFFFF  }
0x270: {  	_ =	strace $0x90000047  }
0x271: {  	s0 =	stileid.u32;
	[bflag:$0x2] =	sbarrier.arrive $0xFFFF  }
0x272: {  	p0 =	sne.s32 s0, $0x0;
	s0 =	rddreg [dreg:$0x2]  }
0x273: {  	s0 =	sadd.s32 @!p0 $0x100000, s0  }
0x274: {  	[sflag:s0] =	ssyncadd.tile.s32 @!p0 $0x1;
	_ =	shalt  }
.Lfunc_end2:
_tile_overlayer_lowered:
.L_overlay_start_2:
0x275: {  	(tag) =	ssettag $0x2  }
0x276: {  	s0 =	rddreg [dreg:$0x0];
	s2 =	stileid.u32  }
0x277: {  	s1 =	rddreg [dreg:$0x1];
	p0 =	sne.s32 s2, $0x0  }
0x278: {  	s3 =	rddreg [dreg:$0x2];
	[bflag:$0x3] =	sbarrier.arrive $0xFFFF;
	s2 =	simm.s32 @!p0 $0x1C01  }
0x279: {  	[timem:s3], [sflag:s2] =	dma.local @!p0 [hbm:s0], s1  }
0x27a: {  	s0 =	simm.s32 @!p0 $0x1  }
0x27b: {  	_ =	swait.ge @!p0 [sflag:s0], s1  }
0x27c: {  	s1 =	ssub.s32 @!p0 $0x0, s1;
	[sflag:s0] =	ssyncset.done @!p0 $0x0  }
0x27d: {  	[sflag:s0] =	ssyncadd.s32 @!p0 s1  }
0x27e: {  	[bflag:$0x3] =	sbarrier.arrive $0xFFFF  }
0x27f: {  	_ =	shalt  }

</sc_bundles>
